<compile_context>
chip_gen: v7x
topology: tpu7x:2x2x1
jax: 0.10.2.dev20260603
libtpu: 0.0.44.dev20260713+nightly
codegen_flags: <defaults>
</compile_context>

<pallas_src>
import functools

import jax
import jax.numpy as jnp
from jax import lax
from jax.experimental import pallas as pl
from jax.experimental.pallas import tpu as pltpu
from jax.experimental.pallas import tpu_sc as plsc

B = 16384
D = 64
CTX = 20
NEG = 20
V = 1000000

NC = 2
NS = 16
NW = NC * NS
LANES = 16

BPW = B // NW
CB = 32
NCHUNK = BPW // CB
GROUPS = CB * CTX // 128
SCOL = 32


def _sc_scores(ctx_idx, pos_ids, neg_idx, in_w, out_w):
  mesh = plsc.VectorSubcoreMesh(core_axis_name="c", subcore_axis_name="s")

  @functools.partial(
      pl.kernel,
      mesh=mesh,
      out_type=jax.ShapeDtypeStruct((B, SCOL), jnp.float32),
      compiler_params=pltpu.CompilerParams(use_tc_tiling_on_sc=False),
      scratch_types=[
          pltpu.VMEM((CB * CTX,), jnp.int32),
          pltpu.VMEM((CB * NEG,), jnp.int32),
          pltpu.VMEM((CB,), jnp.int32),
          pltpu.VMEM((CB * CTX, D), jnp.float32),
          pltpu.VMEM((CB * NEG, D), jnp.float32),
          pltpu.VMEM((CB, D), jnp.float32),
          pltpu.VMEM((CB, SCOL), jnp.float32),
          pltpu.SemaphoreType.DMA,
      ],
  )
  def k(ctx_idx_hbm, pos_hbm, neg_idx_hbm, in_hbm, out_hbm, scores_hbm,
        ctx_idx_v, neg_idx_v, pos_idx_v, ctx_rows, neg_rows, pos_rows,
        scores_v, sem):
    wid = lax.axis_index("s") * NC + lax.axis_index("c")

    def chunk_body(chunk, _):
      b0 = wid * BPW + chunk * CB
      pltpu.sync_copy(ctx_idx_hbm.at[pl.ds(b0 * CTX, CB * CTX)], ctx_idx_v)
      pltpu.sync_copy(neg_idx_hbm.at[pl.ds(b0 * NEG, CB * NEG)], neg_idx_v)
      pltpu.sync_copy(pos_hbm.at[pl.ds(b0, CB)], pos_idx_v)
      copies = []
      for g in range(GROUPS):
        copies.append(pltpu.async_copy(
            in_hbm.at[ctx_idx_v.at[pl.ds(g * 128, 128)]],
            ctx_rows.at[pl.ds(g * 128, 128)], sem))
      for g in range(GROUPS):
        copies.append(pltpu.async_copy(
            out_hbm.at[neg_idx_v.at[pl.ds(g * 128, 128)]],
            neg_rows.at[pl.ds(g * 128, 128)], sem))
      copies.append(pltpu.async_copy(out_hbm.at[pos_idx_v], pos_rows, sem))
      for cp in copies:
        cp.wait()

      lane = lax.iota(jnp.int32, LANES)
      rot = [(lane + sh) & (LANES - 1) for sh in (8, 4, 2, 1)]
      dnums = lax.GatherDimensionNumbers(
          offset_dims=(), collapsed_slice_dims=(0,), start_index_map=(0,))

      def hsum(v):
        for r in rot:
          v = v + lax.gather(
              v, r[:, None], dimension_numbers=dnums, slice_sizes=(1,),
              mode=lax.GatherScatterMode.PROMISE_IN_BOUNDS)
        return v

      def batch_body(b, _):
        base = b * CTX
        mean = [ctx_rows[base, pl.ds(q * LANES, LANES)] for q in range(4)]
        for c in range(1, CTX):
          for q in range(4):
            mean[q] = mean[q] + ctx_rows[base + c, pl.ds(q * LANES, LANES)]
        scale = jnp.float32(1.0 / CTX)
        mean = [m * scale for m in mean]

        def dot_row(row_ref, r):
          p = mean[0] * row_ref[r, pl.ds(0, LANES)]
          for q in range(1, 4):
            p = p + mean[q] * row_ref[r, pl.ds(q * LANES, LANES)]
          return hsum(p)

        s_lo = jnp.zeros((LANES,), jnp.float32)
        s_hi = jnp.zeros((LANES,), jnp.float32)
        s_lo = jnp.where(lane == 0, dot_row(pos_rows, b), s_lo)
        for n in range(NEG):
          j = 1 + n
          s = dot_row(neg_rows, b * NEG + n)
          if j < LANES:
            s_lo = jnp.where(lane == j, s, s_lo)
          else:
            s_hi = jnp.where(lane == j - LANES, s, s_hi)
        scores_v[b, pl.ds(0, LANES)] = s_lo
        scores_v[b, pl.ds(LANES, LANES)] = s_hi
        return 0

      lax.fori_loop(0, CB, batch_body, 0)
      pltpu.sync_copy(scores_v, scores_hbm.at[pl.ds(b0, CB)])
      return 0

    lax.fori_loop(0, NCHUNK, chunk_body, 0)

  return k(ctx_idx, pos_ids, neg_idx, in_w, out_w)


def _tc_loss(scores):
  rows = B * SCOL // 128

  def body(s_ref, o_ref):
    s = s_ref[...]
    col = lax.broadcasted_iota(jnp.int32, s.shape, 1) % SCOL
    def sp(x):
      return jnp.maximum(x, 0.0) + jnp.log(1.0 + jnp.exp(-jnp.abs(x)))
    contrib = jnp.where(col == 0, sp(-s), 0.0)
    contrib = contrib + jnp.where((col >= 1) & (col <= NEG), sp(s), 0.0)
    o_ref[0, 0] = jnp.sum(contrib) * jnp.float32(1.0 / B)

  out = pl.pallas_call(
      body,
      out_shape=jax.ShapeDtypeStruct((1, 1), jnp.float32),
      in_specs=[pl.BlockSpec((rows, 128), lambda: (0, 0))],
      out_specs=pl.BlockSpec((1, 1), lambda: (0, 0),
                             memory_space=pltpu.SMEM),
  )(scores.reshape(rows, 128))
  return out[0, 0]


def kernel(context_ids, pos_ids, neg_ids, in_embed_weight, out_embed_weight):
  ctx_idx = context_ids.reshape(B * CTX)
  neg_idx = neg_ids.reshape(B * NEG)
  scores = _sc_scores(ctx_idx, pos_ids, neg_idx,
                      in_embed_weight, out_embed_weight)
  return _tc_loss(scores)

# --- scband reference (transcript-rebuilt; emitter-appended) ---
"""Pipeline reference for scband-cbowmodel-nn-46059229282566 (READ-ONLY COPY).

The authoritative reference and input builder live on the scoring server;
editing this copy changes nothing except your own understanding.
"""

import jax, jax.numpy as jnp
import numpy as np

VOCAB = 1000000
EMBED = 64
BATCH = 16384
CTX = 20
NEG = 20


def setup_inputs(seed: int = 0) -> dict:
    key = jax.random.key(seed)
    k1, k2, k3, k4, k5 = jax.random.split(key, 5)
    context_ids = jax.random.randint(k1, (BATCH, CTX), 0, VOCAB, dtype=jnp.int64 if jax.config.jax_enable_x64 else jnp.int32).astype(jnp.int32)
    pos_ids = jax.random.randint(k2, (BATCH,), 0, VOCAB).astype(jnp.int32)
    neg_ids = jax.random.randint(k3, (BATCH, NEG), 0, VOCAB).astype(jnp.int32)
    # xavier_uniform for [VOCAB, EMBED]: bound = sqrt(6/(fan_in+fan_out))
    bound = float(np.sqrt(6.0 / (VOCAB + EMBED)))
    in_embed_weight = jax.random.uniform(k4, (VOCAB, EMBED), minval=-bound, maxval=bound, dtype=jnp.float32)
    out_embed_weight = jax.random.uniform(k5, (VOCAB, EMBED), minval=-bound, maxval=bound, dtype=jnp.float32)
    return {
        "context_ids": context_ids,
        "pos_ids": pos_ids,
        "neg_ids": neg_ids,
        "in_embed_weight": in_embed_weight,
        "out_embed_weight": out_embed_weight,
    }


def _log_sigmoid(x):
    return -jax.nn.softplus(-x)


def reference(context_ids, pos_ids, neg_ids, in_embed_weight, out_embed_weight):
    # context_embeds = in_embed(context_ids).mean(dim=1)
    context_embeds = jnp.take(in_embed_weight, context_ids, axis=0).mean(axis=1)  # [B, D]
    # pos_embeds = out_embed(pos_ids)
    pos_embeds = jnp.take(out_embed_weight, pos_ids, axis=0)  # [B, D]
    pos_score = jnp.sum(context_embeds * pos_embeds, axis=1)  # [B]
    pos_loss = -_log_sigmoid(pos_score)
    # neg_embeds = out_embed(neg_ids); bmm(neg_embeds, context.unsqueeze(2)).squeeze(2)
    neg_embeds = jnp.take(out_embed_weight, neg_ids, axis=0)  # [B, N, D]
    neg_score = jnp.einsum('bnd,bd->bn', neg_embeds, context_embeds)  # [B, N]
    neg_loss = -jnp.sum(_log_sigmoid(-neg_score), axis=1)  # [B]
    return jnp.mean(pos_loss + neg_loss)

if __name__ == "__main__":
    import jax
    _d = setup_inputs()
    print(jax.jit(kernel)(*tuple(_d.values())))

</pallas_src>

<mosaic_0001>
#map = affine_map<(d0, d1) -> (0)>
#map1 = affine_map<(d0, d1) -> (0, 0)>
module attributes {stable_mosaic.version = 14 : i64} {
  func.func @k(%arg0: i32, %arg1: i32, %arg2: memref<327680xi32, #tpu.memory_space<hbm>>, %arg3: memref<16384xi32, #tpu.memory_space<hbm>>, %arg4: memref<327680xi32, #tpu.memory_space<hbm>>, %arg5: memref<1000000x64xf32, #tpu.memory_space<hbm>>, %arg6: memref<1000000x64xf32, #tpu.memory_space<hbm>>, %arg7: memref<16384x32xf32, #tpu.memory_space<hbm>>, %arg8: memref<640xi32, #tpu.memory_space<vmem>>, %arg9: memref<640xi32, #tpu.memory_space<vmem>>, %arg10: memref<32xi32, #tpu.memory_space<vmem>>, %arg11: memref<640x64xf32, #tpu.memory_space<vmem>>, %arg12: memref<640x64xf32, #tpu.memory_space<vmem>>, %arg13: memref<32x64xf32, #tpu.memory_space<vmem>>, %arg14: memref<32x32xf32, #tpu.memory_space<vmem>>, %arg15: memref<!tpu.dma_semaphore, #tpu.memory_space<semaphore_mem>>) attributes {dimension_semantics = [#tpu.dimension_semantics<core_parallel>, #tpu.dimension_semantics<subcore_parallel>], iteration_bounds = array<i64: 2, 16>, scalar_prefetch = 0 : i64, scratch_operands = 8 : i64, tpu.core_type = #tpu.core_type<sc_vector_subcore>, window_params = [{transform_indices = #map}, {transform_indices = #map}, {transform_indices = #map}, {transform_indices = #map1}, {transform_indices = #map1}, {transform_indices = #map1}]} {
    %mul3A = arith.constant 2 : i32
    %mul3A_0 = arith.muli %arg1, %mul3A : i32
    %add3A = arith.addi %mul3A_0, %arg0 : i32
    %scan3A = arith.constant 0 : i32
    %scan3A_1 = arith.constant 0 : i32
    %scan3A_2 = arith.constant 16 : i32
    %scan3A_3 = arith.addi %scan3A_1, %scan3A_2 : i32
    %scan3A_4 = arith.constant 1 : i32
    %scan3A_5 = scf.for %scan3A_7 = %scan3A_1 to %scan3A_3 step %scan3A_4 iter_args(%scan3A_8 = %scan3A) -> (i32)  : i32 {
      %mul3A_9 = arith.constant 512 : i32
      %mul3A_10 = arith.muli %add3A, %mul3A_9 : i32
      %mul3A_11 = arith.constant 32 : i32
      %mul3A_12 = arith.muli %scan3A_7, %mul3A_11 : i32
      %add3A_13 = arith.addi %mul3A_10, %mul3A_12 : i32
      %mul3A_14 = arith.constant 20 : i32
      %mul3A_15 = arith.muli %add3A_13, %mul3A_14 : i32
      "tpu.region"() ({
        %run_scoped3A = tpu.sem_alloc : memref<!tpu.dma_semaphore, #tpu.memory_space<semaphore_mem>>
        %dma_start3A_213 = tpu.memref_slice %arg2[%mul3A_15] : memref<327680xi32, #tpu.memory_space<hbm>> -> memref<640xi32, #tpu.memory_space<hbm>>
        %dma_start3A_214 = tpu.memref_slice %arg2[%mul3A_15] : memref<327680xi32, #tpu.memory_space<hbm>> -> memref<640xi32, #tpu.memory_space<hbm>>
        tpu.enqueue_dma source(%dma_start3A_214 : memref<640xi32, #tpu.memory_space<hbm>>) target(%arg8 : memref<640xi32, #tpu.memory_space<vmem>>) target_semaphore(%run_scoped3A : memref<!tpu.dma_semaphore, #tpu.memory_space<semaphore_mem>>)
        %dma_wait3A_215 = tpu.memref_slice %arg2[%mul3A_15] : memref<327680xi32, #tpu.memory_space<hbm>> -> memref<640xi32, #tpu.memory_space<hbm>>
        %dma_wait3A_216 = tpu.memref_slice %arg2[%mul3A_15] : memref<327680xi32, #tpu.memory_space<hbm>> -> memref<640xi32, #tpu.memory_space<hbm>>
        tpu.wait_dma2 semaphore(%run_scoped3A : memref<!tpu.dma_semaphore, #tpu.memory_space<semaphore_mem>>) src(%dma_wait3A_216 : memref<640xi32, #tpu.memory_space<hbm>>) dst(%arg8 : memref<640xi32, #tpu.memory_space<vmem>>)
        tpu.yield
      }) : () -> ()
      %mul3A_16 = arith.constant 20 : i32
      %mul3A_17 = arith.muli %add3A_13, %mul3A_16 : i32
      "tpu.region"() ({
        %run_scoped3A = tpu.sem_alloc : memref<!tpu.dma_semaphore, #tpu.memory_space<semaphore_mem>>
        %dma_start3A_213 = tpu.memref_slice %arg4[%mul3A_17] : memref<327680xi32, #tpu.memory_space<hbm>> -> memref<640xi32, #tpu.memory_space<hbm>>
        %dma_start3A_214 = tpu.memref_slice %arg4[%mul3A_17] : memref<327680xi32, #tpu.memory_space<hbm>> -> memref<640xi32, #tpu.memory_space<hbm>>
        tpu.enqueue_dma source(%dma_start3A_214 : memref<640xi32, #tpu.memory_space<hbm>>) target(%arg9 : memref<640xi32, #tpu.memory_space<vmem>>) target_semaphore(%run_scoped3A : memref<!tpu.dma_semaphore, #tpu.memory_space<semaphore_mem>>)
        %dma_wait3A_215 = tpu.memref_slice %arg4[%mul3A_17] : memref<327680xi32, #tpu.memory_space<hbm>> -> memref<640xi32, #tpu.memory_space<hbm>>
        %dma_wait3A_216 = tpu.memref_slice %arg4[%mul3A_17] : memref<327680xi32, #tpu.memory_space<hbm>> -> memref<640xi32, #tpu.memory_space<hbm>>
        tpu.wait_dma2 semaphore(%run_scoped3A : memref<!tpu.dma_semaphore, #tpu.memory_space<semaphore_mem>>) src(%dma_wait3A_216 : memref<640xi32, #tpu.memory_space<hbm>>) dst(%arg9 : memref<640xi32, #tpu.memory_space<vmem>>)
        tpu.yield
      }) : () -> ()
      "tpu.region"() ({
        %run_scoped3A = tpu.sem_alloc : memref<!tpu.dma_semaphore, #tpu.memory_space<semaphore_mem>>
        %dma_start3A_213 = tpu.memref_slice %arg3[%add3A_13] : memref<16384xi32, #tpu.memory_space<hbm>> -> memref<32xi32, #tpu.memory_space<hbm>>
        %dma_start3A_214 = tpu.memref_slice %arg3[%add3A_13] : memref<16384xi32, #tpu.memory_space<hbm>> -> memref<32xi32, #tpu.memory_space<hbm>>
        tpu.enqueue_dma source(%dma_start3A_214 : memref<32xi32, #tpu.memory_space<hbm>>) target(%arg10 : memref<32xi32, #tpu.memory_space<vmem>>) target_semaphore(%run_scoped3A : memref<!tpu.dma_semaphore, #tpu.memory_space<semaphore_mem>>)
        %dma_wait3A_215 = tpu.memref_slice %arg3[%add3A_13] : memref<16384xi32, #tpu.memory_space<hbm>> -> memref<32xi32, #tpu.memory_space<hbm>>
        %dma_wait3A_216 = tpu.memref_slice %arg3[%add3A_13] : memref<16384xi32, #tpu.memory_space<hbm>> -> memref<32xi32, #tpu.memory_space<hbm>>
        tpu.wait_dma2 semaphore(%run_scoped3A : memref<!tpu.dma_semaphore, #tpu.memory_space<semaphore_mem>>) src(%dma_wait3A_216 : memref<32xi32, #tpu.memory_space<hbm>>) dst(%arg10 : memref<32xi32, #tpu.memory_space<vmem>>)
        tpu.yield
      }) : () -> ()
      %dma_start3A = arith.constant 0 : i32
      %dma_start3A_18 = arith.constant 0 : i32
      %dma_start3A_19 = tpu.memref_slice %arg11[%dma_start3A, %dma_start3A_18] : memref<640x64xf32, #tpu.memory_space<vmem>> -> memref<128x64xf32, #tpu.memory_space<vmem>>
      %dma_start3A_20 = arith.constant 0 : i32
      %dma_start3A_21 = tpu.memref_slice %arg8[%dma_start3A_20] : memref<640xi32, #tpu.memory_space<vmem>> -> memref<128xi32, #tpu.memory_space<vmem>>
      %dma_start3A_22 = arith.constant 0 : i32
      %dma_start3A_23 = arith.constant 0 : i32
      %dma_start3A_24 = tpu.memref_slice %arg5[%dma_start3A_22, %dma_start3A_23] : memref<1000000x64xf32, #tpu.memory_space<hbm>> -> memref<1000000x64xf32, #tpu.memory_space<hbm>>
      tpu.enqueue_indirect_dma source(%dma_start3A_24 : memref<1000000x64xf32, #tpu.memory_space<hbm>>) target(%dma_start3A_19 : memref<128x64xf32, #tpu.memory_space<vmem>>) offsets(%dma_start3A_21 : memref<128xi32, #tpu.memory_space<vmem>>) semaphore(%arg15 : memref<!tpu.dma_semaphore, #tpu.memory_space<semaphore_mem>>)
      %dma_start3A_25 = arith.constant 128 : i32
      %dma_start3A_26 = arith.constant 0 : i32
      %dma_start3A_27 = tpu.memref_slice %arg11[%dma_start3A_25, %dma_start3A_26] : memref<640x64xf32, #tpu.memory_space<vmem>> -> memref<128x64xf32, #tpu.memory_space<vmem>>
      %dma_start3A_28 = arith.constant 128 : i32
      %dma_start3A_29 = tpu.memref_slice %arg8[%dma_start3A_28] : memref<640xi32, #tpu.memory_space<vmem>> -> memref<128xi32, #tpu.memory_space<vmem>>
      %dma_start3A_30 = arith.constant 0 : i32
      %dma_start3A_31 = arith.constant 0 : i32
      %dma_start3A_32 = tpu.memref_slice %arg5[%dma_start3A_30, %dma_start3A_31] : memref<1000000x64xf32, #tpu.memory_space<hbm>> -> memref<1000000x64xf32, #tpu.memory_space<hbm>>
      tpu.enqueue_indirect_dma source(%dma_start3A_32 : memref<1000000x64xf32, #tpu.memory_space<hbm>>) target(%dma_start3A_27 : memref<128x64xf32, #tpu.memory_space<vmem>>) offsets(%dma_start3A_29 : memref<128xi32, #tpu.memory_space<vmem>>) semaphore(%arg15 : memref<!tpu.dma_semaphore, #tpu.memory_space<semaphore_mem>>)
      %dma_start3A_33 = arith.constant 256 : i32
      %dma_start3A_34 = arith.constant 0 : i32
      %dma_start3A_35 = tpu.memref_slice %arg11[%dma_start3A_33, %dma_start3A_34] : memref<640x64xf32, #tpu.memory_space<vmem>> -> memref<128x64xf32, #tpu.memory_space<vmem>>
      %dma_start3A_36 = arith.constant 256 : i32
      %dma_start3A_37 = tpu.memref_slice %arg8[%dma_start3A_36] : memref<640xi32, #tpu.memory_space<vmem>> -> memref<128xi32, #tpu.memory_space<vmem>>
      %dma_start3A_38 = arith.constant 0 : i32
      %dma_start3A_39 = arith.constant 0 : i32
      %dma_start3A_40 = tpu.memref_slice %arg5[%dma_start3A_38, %dma_start3A_39] : memref<1000000x64xf32, #tpu.memory_space<hbm>> -> memref<1000000x64xf32, #tpu.memory_space<hbm>>
      tpu.enqueue_indirect_dma source(%dma_start3A_40 : memref<1000000x64xf32, #tpu.memory_space<hbm>>) target(%dma_start3A_35 : memref<128x64xf32, #tpu.memory_space<vmem>>) offsets(%dma_start3A_37 : memref<128xi32, #tpu.memory_space<vmem>>) semaphore(%arg15 : memref<!tpu.dma_semaphore, #tpu.memory_space<semaphore_mem>>)
      %dma_start3A_41 = arith.constant 384 : i32
      %dma_start3A_42 = arith.constant 0 : i32
      %dma_start3A_43 = tpu.memref_slice %arg11[%dma_start3A_41, %dma_start3A_42] : memref<640x64xf32, #tpu.memory_space<vmem>> -> memref<128x64xf32, #tpu.memory_space<vmem>>
      %dma_start3A_44 = arith.constant 384 : i32
      %dma_start3A_45 = tpu.memref_slice %arg8[%dma_start3A_44] : memref<640xi32, #tpu.memory_space<vmem>> -> memref<128xi32, #tpu.memory_space<vmem>>
      %dma_start3A_46 = arith.constant 0 : i32
      %dma_start3A_47 = arith.constant 0 : i32
      %dma_start3A_48 = tpu.memref_slice %arg5[%dma_start3A_46, %dma_start3A_47] : memref<1000000x64xf32, #tpu.memory_space<hbm>> -> memref<1000000x64xf32, #tpu.memory_space<hbm>>
      tpu.enqueue_indirect_dma source(%dma_start3A_48 : memref<1000000x64xf32, #tpu.memory_space<hbm>>) target(%dma_start3A_43 : memref<128x64xf32, #tpu.memory_space<vmem>>) offsets(%dma_start3A_45 : memref<128xi32, #tpu.memory_space<vmem>>) semaphore(%arg15 : memref<!tpu.dma_semaphore, #tpu.memory_space<semaphore_mem>>)
      %dma_start3A_49 = arith.constant 512 : i32
      %dma_start3A_50 = arith.constant 0 : i32
      %dma_start3A_51 = tpu.memref_slice %arg11[%dma_start3A_49, %dma_start3A_50] : memref<640x64xf32, #tpu.memory_space<vmem>> -> memref<128x64xf32, #tpu.memory_space<vmem>>
      %dma_start3A_52 = arith.constant 512 : i32
      %dma_start3A_53 = tpu.memref_slice %arg8[%dma_start3A_52] : memref<640xi32, #tpu.memory_space<vmem>> -> memref<128xi32, #tpu.memory_space<vmem>>
      %dma_start3A_54 = arith.constant 0 : i32
      %dma_start3A_55 = arith.constant 0 : i32
      %dma_start3A_56 = tpu.memref_slice %arg5[%dma_start3A_54, %dma_start3A_55] : memref<1000000x64xf32, #tpu.memory_space<hbm>> -> memref<1000000x64xf32, #tpu.memory_space<hbm>>
      tpu.enqueue_indirect_dma source(%dma_start3A_56 : memref<1000000x64xf32, #tpu.memory_space<hbm>>) target(%dma_start3A_51 : memref<128x64xf32, #tpu.memory_space<vmem>>) offsets(%dma_start3A_53 : memref<128xi32, #tpu.memory_space<vmem>>) semaphore(%arg15 : memref<!tpu.dma_semaphore, #tpu.memory_space<semaphore_mem>>)
      %dma_start3A_57 = arith.constant 0 : i32
      %dma_start3A_58 = arith.constant 0 : i32
      %dma_start3A_59 = tpu.memref_slice %arg12[%dma_start3A_57, %dma_start3A_58] : memref<640x64xf32, #tpu.memory_space<vmem>> -> memref<128x64xf32, #tpu.memory_space<vmem>>
      %dma_start3A_60 = arith.constant 0 : i32
      %dma_start3A_61 = tpu.memref_slice %arg9[%dma_start3A_60] : memref<640xi32, #tpu.memory_space<vmem>> -> memref<128xi32, #tpu.memory_space<vmem>>
      %dma_start3A_62 = arith.constant 0 : i32
      %dma_start3A_63 = arith.constant 0 : i32
      %dma_start3A_64 = tpu.memref_slice %arg6[%dma_start3A_62, %dma_start3A_63] : memref<1000000x64xf32, #tpu.memory_space<hbm>> -> memref<1000000x64xf32, #tpu.memory_space<hbm>>
      tpu.enqueue_indirect_dma source(%dma_start3A_64 : memref<1000000x64xf32, #tpu.memory_space<hbm>>) target(%dma_start3A_59 : memref<128x64xf32, #tpu.memory_space<vmem>>) offsets(%dma_start3A_61 : memref<128xi32, #tpu.memory_space<vmem>>) semaphore(%arg15 : memref<!tpu.dma_semaphore, #tpu.memory_space<semaphore_mem>>)
      %dma_start3A_65 = arith.constant 128 : i32
      %dma_start3A_66 = arith.constant 0 : i32
      %dma_start3A_67 = tpu.memref_slice %arg12[%dma_start3A_65, %dma_start3A_66] : memref<640x64xf32, #tpu.memory_space<vmem>> -> memref<128x64xf32, #tpu.memory_space<vmem>>
      %dma_start3A_68 = arith.constant 128 : i32
      %dma_start3A_69 = tpu.memref_slice %arg9[%dma_start3A_68] : memref<640xi32, #tpu.memory_space<vmem>> -> memref<128xi32, #tpu.memory_space<vmem>>
      %dma_start3A_70 = arith.constant 0 : i32
      %dma_start3A_71 = arith.constant 0 : i32
      %dma_start3A_72 = tpu.memref_slice %arg6[%dma_start3A_70, %dma_start3A_71] : memref<1000000x64xf32, #tpu.memory_space<hbm>> -> memref<1000000x64xf32, #tpu.memory_space<hbm>>
      tpu.enqueue_indirect_dma source(%dma_start3A_72 : memref<1000000x64xf32, #tpu.memory_space<hbm>>) target(%dma_start3A_67 : memref<128x64xf32, #tpu.memory_space<vmem>>) offsets(%dma_start3A_69 : memref<128xi32, #tpu.memory_space<vmem>>) semaphore(%arg15 : memref<!tpu.dma_semaphore, #tpu.memory_space<semaphore_mem>>)
      %dma_start3A_73 = arith.constant 256 : i32
      %dma_start3A_74 = arith.constant 0 : i32
      %dma_start3A_75 = tpu.memref_slice %arg12[%dma_start3A_73, %dma_start3A_74] : memref<640x64xf32, #tpu.memory_space<vmem>> -> memref<128x64xf32, #tpu.memory_space<vmem>>
      %dma_start3A_76 = arith.constant 256 : i32
      %dma_start3A_77 = tpu.memref_slice %arg9[%dma_start3A_76] : memref<640xi32, #tpu.memory_space<vmem>> -> memref<128xi32, #tpu.memory_space<vmem>>
      %dma_start3A_78 = arith.constant 0 : i32
      %dma_start3A_79 = arith.constant 0 : i32
      %dma_start3A_80 = tpu.memref_slice %arg6[%dma_start3A_78, %dma_start3A_79] : memref<1000000x64xf32, #tpu.memory_space<hbm>> -> memref<1000000x64xf32, #tpu.memory_space<hbm>>
      tpu.enqueue_indirect_dma source(%dma_start3A_80 : memref<1000000x64xf32, #tpu.memory_space<hbm>>) target(%dma_start3A_75 : memref<128x64xf32, #tpu.memory_space<vmem>>) offsets(%dma_start3A_77 : memref<128xi32, #tpu.memory_space<vmem>>) semaphore(%arg15 : memref<!tpu.dma_semaphore, #tpu.memory_space<semaphore_mem>>)
      %dma_start3A_81 = arith.constant 384 : i32
      %dma_start3A_82 = arith.constant 0 : i32
      %dma_start3A_83 = tpu.memref_slice %arg12[%dma_start3A_81, %dma_start3A_82] : memref<640x64xf32, #tpu.memory_space<vmem>> -> memref<128x64xf32, #tpu.memory_space<vmem>>
      %dma_start3A_84 = arith.constant 384 : i32
      %dma_start3A_85 = tpu.memref_slice %arg9[%dma_start3A_84] : memref<640xi32, #tpu.memory_space<vmem>> -> memref<128xi32, #tpu.memory_space<vmem>>
      %dma_start3A_86 = arith.constant 0 : i32
      %dma_start3A_87 = arith.constant 0 : i32
      %dma_start3A_88 = tpu.memref_slice %arg6[%dma_start3A_86, %dma_start3A_87] : memref<1000000x64xf32, #tpu.memory_space<hbm>> -> memref<1000000x64xf32, #tpu.memory_space<hbm>>
      tpu.enqueue_indirect_dma source(%dma_start3A_88 : memref<1000000x64xf32, #tpu.memory_space<hbm>>) target(%dma_start3A_83 : memref<128x64xf32, #tpu.memory_space<vmem>>) offsets(%dma_start3A_85 : memref<128xi32, #tpu.memory_space<vmem>>) semaphore(%arg15 : memref<!tpu.dma_semaphore, #tpu.memory_space<semaphore_mem>>)
      %dma_start3A_89 = arith.constant 512 : i32
      %dma_start3A_90 = arith.constant 0 : i32
      %dma_start3A_91 = tpu.memref_slice %arg12[%dma_start3A_89, %dma_start3A_90] : memref<640x64xf32, #tpu.memory_space<vmem>> -> memref<128x64xf32, #tpu.memory_space<vmem>>
      %dma_start3A_92 = arith.constant 512 : i32
      %dma_start3A_93 = tpu.memref_slice %arg9[%dma_start3A_92] : memref<640xi32, #tpu.memory_space<vmem>> -> memref<128xi32, #tpu.memory_space<vmem>>
      %dma_start3A_94 = arith.constant 0 : i32
      %dma_start3A_95 = arith.constant 0 : i32
      %dma_start3A_96 = tpu.memref_slice %arg6[%dma_start3A_94, %dma_start3A_95] : memref<1000000x64xf32, #tpu.memory_space<hbm>> -> memref<1000000x64xf32, #tpu.memory_space<hbm>>
      tpu.enqueue_indirect_dma source(%dma_start3A_96 : memref<1000000x64xf32, #tpu.memory_space<hbm>>) target(%dma_start3A_91 : memref<128x64xf32, #tpu.memory_space<vmem>>) offsets(%dma_start3A_93 : memref<128xi32, #tpu.memory_space<vmem>>) semaphore(%arg15 : memref<!tpu.dma_semaphore, #tpu.memory_space<semaphore_mem>>)
      %dma_start3A_97 = arith.constant 0 : i32
      %dma_start3A_98 = arith.constant 0 : i32
      %dma_start3A_99 = tpu.memref_slice %arg6[%dma_start3A_97, %dma_start3A_98] : memref<1000000x64xf32, #tpu.memory_space<hbm>> -> memref<1000000x64xf32, #tpu.memory_space<hbm>>
      tpu.enqueue_indirect_dma source(%dma_start3A_99 : memref<1000000x64xf32, #tpu.memory_space<hbm>>) target(%arg13 : memref<32x64xf32, #tpu.memory_space<vmem>>) offsets(%arg10 : memref<32xi32, #tpu.memory_space<vmem>>) semaphore(%arg15 : memref<!tpu.dma_semaphore, #tpu.memory_space<semaphore_mem>>)
      %dma_wait3A = arith.constant 0 : i32
      %dma_wait3A_100 = arith.constant 0 : i32
      %dma_wait3A_101 = tpu.memref_slice %arg11[%dma_wait3A, %dma_wait3A_100] : memref<640x64xf32, #tpu.memory_space<vmem>> -> memref<128x64xf32, #tpu.memory_space<vmem>>
      %dma_wait3A_102 = arith.constant 0 : i32
      %dma_wait3A_103 = tpu.memref_slice %arg8[%dma_wait3A_102] : memref<640xi32, #tpu.memory_space<vmem>> -> memref<128xi32, #tpu.memory_space<vmem>>
      %dma_wait3A_104 = arith.constant 0 : i32
      %dma_wait3A_105 = arith.constant 0 : i32
      %dma_wait3A_106 = tpu.memref_slice %arg5[%dma_wait3A_104, %dma_wait3A_105] : memref<1000000x64xf32, #tpu.memory_space<hbm>> -> memref<1000000x64xf32, #tpu.memory_space<hbm>>
      tpu.wait_indirect_dma semaphore(%arg15 : memref<!tpu.dma_semaphore, #tpu.memory_space<semaphore_mem>>) src(%dma_wait3A_106 : memref<1000000x64xf32, #tpu.memory_space<hbm>>) dst(%dma_wait3A_101 : memref<128x64xf32, #tpu.memory_space<vmem>>)
      %dma_wait3A_107 = arith.constant 128 : i32
      %dma_wait3A_108 = arith.constant 0 : i32
      %dma_wait3A_109 = tpu.memref_slice %arg11[%dma_wait3A_107, %dma_wait3A_108] : memref<640x64xf32, #tpu.memory_space<vmem>> -> memref<128x64xf32, #tpu.memory_space<vmem>>
      %dma_wait3A_110 = arith.constant 128 : i32
      %dma_wait3A_111 = tpu.memref_slice %arg8[%dma_wait3A_110] : memref<640xi32, #tpu.memory_space<vmem>> -> memref<128xi32, #tpu.memory_space<vmem>>
      %dma_wait3A_112 = arith.constant 0 : i32
      %dma_wait3A_113 = arith.constant 0 : i32
      %dma_wait3A_114 = tpu.memref_slice %arg5[%dma_wait3A_112, %dma_wait3A_113] : memref<1000000x64xf32, #tpu.memory_space<hbm>> -> memref<1000000x64xf32, #tpu.memory_space<hbm>>
      tpu.wait_indirect_dma semaphore(%arg15 : memref<!tpu.dma_semaphore, #tpu.memory_space<semaphore_mem>>) src(%dma_wait3A_114 : memref<1000000x64xf32, #tpu.memory_space<hbm>>) dst(%dma_wait3A_109 : memref<128x64xf32, #tpu.memory_space<vmem>>)
      %dma_wait3A_115 = arith.constant 256 : i32
      %dma_wait3A_116 = arith.constant 0 : i32
      %dma_wait3A_117 = tpu.memref_slice %arg11[%dma_wait3A_115, %dma_wait3A_116] : memref<640x64xf32, #tpu.memory_space<vmem>> -> memref<128x64xf32, #tpu.memory_space<vmem>>
      %dma_wait3A_118 = arith.constant 256 : i32
      %dma_wait3A_119 = tpu.memref_slice %arg8[%dma_wait3A_118] : memref<640xi32, #tpu.memory_space<vmem>> -> memref<128xi32, #tpu.memory_space<vmem>>
      %dma_wait3A_120 = arith.constant 0 : i32
      %dma_wait3A_121 = arith.constant 0 : i32
      %dma_wait3A_122 = tpu.memref_slice %arg5[%dma_wait3A_120, %dma_wait3A_121] : memref<1000000x64xf32, #tpu.memory_space<hbm>> -> memref<1000000x64xf32, #tpu.memory_space<hbm>>
      tpu.wait_indirect_dma semaphore(%arg15 : memref<!tpu.dma_semaphore, #tpu.memory_space<semaphore_mem>>) src(%dma_wait3A_122 : memref<1000000x64xf32, #tpu.memory_space<hbm>>) dst(%dma_wait3A_117 : memref<128x64xf32, #tpu.memory_space<vmem>>)
      %dma_wait3A_123 = arith.constant 384 : i32
      %dma_wait3A_124 = arith.constant 0 : i32
      %dma_wait3A_125 = tpu.memref_slice %arg11[%dma_wait3A_123, %dma_wait3A_124] : memref<640x64xf32, #tpu.memory_space<vmem>> -> memref<128x64xf32, #tpu.memory_space<vmem>>
      %dma_wait3A_126 = arith.constant 384 : i32
      %dma_wait3A_127 = tpu.memref_slice %arg8[%dma_wait3A_126] : memref<640xi32, #tpu.memory_space<vmem>> -> memref<128xi32, #tpu.memory_space<vmem>>
      %dma_wait3A_128 = arith.constant 0 : i32
      %dma_wait3A_129 = arith.constant 0 : i32
      %dma_wait3A_130 = tpu.memref_slice %arg5[%dma_wait3A_128, %dma_wait3A_129] : memref<1000000x64xf32, #tpu.memory_space<hbm>> -> memref<1000000x64xf32, #tpu.memory_space<hbm>>
      tpu.wait_indirect_dma semaphore(%arg15 : memref<!tpu.dma_semaphore, #tpu.memory_space<semaphore_mem>>) src(%dma_wait3A_130 : memref<1000000x64xf32, #tpu.memory_space<hbm>>) dst(%dma_wait3A_125 : memref<128x64xf32, #tpu.memory_space<vmem>>)
      %dma_wait3A_131 = arith.constant 512 : i32
      %dma_wait3A_132 = arith.constant 0 : i32
      %dma_wait3A_133 = tpu.memref_slice %arg11[%dma_wait3A_131, %dma_wait3A_132] : memref<640x64xf32, #tpu.memory_space<vmem>> -> memref<128x64xf32, #tpu.memory_space<vmem>>
      %dma_wait3A_134 = arith.constant 512 : i32
      %dma_wait3A_135 = tpu.memref_slice %arg8[%dma_wait3A_134] : memref<640xi32, #tpu.memory_space<vmem>> -> memref<128xi32, #tpu.memory_space<vmem>>
      %dma_wait3A_136 = arith.constant 0 : i32
      %dma_wait3A_137 = arith.constant 0 : i32
      %dma_wait3A_138 = tpu.memref_slice %arg5[%dma_wait3A_136, %dma_wait3A_137] : memref<1000000x64xf32, #tpu.memory_space<hbm>> -> memref<1000000x64xf32, #tpu.memory_space<hbm>>
      tpu.wait_indirect_dma semaphore(%arg15 : memref<!tpu.dma_semaphore, #tpu.memory_space<semaphore_mem>>) src(%dma_wait3A_138 : memref<1000000x64xf32, #tpu.memory_space<hbm>>) dst(%dma_wait3A_133 : memref<128x64xf32, #tpu.memory_space<vmem>>)
      %dma_wait3A_139 = arith.constant 0 : i32
      %dma_wait3A_140 = arith.constant 0 : i32
      %dma_wait3A_141 = tpu.memref_slice %arg12[%dma_wait3A_139, %dma_wait3A_140] : memref<640x64xf32, #tpu.memory_space<vmem>> -> memref<128x64xf32, #tpu.memory_space<vmem>>
      %dma_wait3A_142 = arith.constant 0 : i32
      %dma_wait3A_143 = tpu.memref_slice %arg9[%dma_wait3A_142] : memref<640xi32, #tpu.memory_space<vmem>> -> memref<128xi32, #tpu.memory_space<vmem>>
      %dma_wait3A_144 = arith.constant 0 : i32
      %dma_wait3A_145 = arith.constant 0 : i32
      %dma_wait3A_146 = tpu.memref_slice %arg6[%dma_wait3A_144, %dma_wait3A_145] : memref<1000000x64xf32, #tpu.memory_space<hbm>> -> memref<1000000x64xf32, #tpu.memory_space<hbm>>
      tpu.wait_indirect_dma semaphore(%arg15 : memref<!tpu.dma_semaphore, #tpu.memory_space<semaphore_mem>>) src(%dma_wait3A_146 : memref<1000000x64xf32, #tpu.memory_space<hbm>>) dst(%dma_wait3A_141 : memref<128x64xf32, #tpu.memory_space<vmem>>)
      %dma_wait3A_147 = arith.constant 128 : i32
      %dma_wait3A_148 = arith.constant 0 : i32
      %dma_wait3A_149 = tpu.memref_slice %arg12[%dma_wait3A_147, %dma_wait3A_148] : memref<640x64xf32, #tpu.memory_space<vmem>> -> memref<128x64xf32, #tpu.memory_space<vmem>>
      %dma_wait3A_150 = arith.constant 128 : i32
      %dma_wait3A_151 = tpu.memref_slice %arg9[%dma_wait3A_150] : memref<640xi32, #tpu.memory_space<vmem>> -> memref<128xi32, #tpu.memory_space<vmem>>
      %dma_wait3A_152 = arith.constant 0 : i32
      %dma_wait3A_153 = arith.constant 0 : i32
      %dma_wait3A_154 = tpu.memref_slice %arg6[%dma_wait3A_152, %dma_wait3A_153] : memref<1000000x64xf32, #tpu.memory_space<hbm>> -> memref<1000000x64xf32, #tpu.memory_space<hbm>>
      tpu.wait_indirect_dma semaphore(%arg15 : memref<!tpu.dma_semaphore, #tpu.memory_space<semaphore_mem>>) src(%dma_wait3A_154 : memref<1000000x64xf32, #tpu.memory_space<hbm>>) dst(%dma_wait3A_149 : memref<128x64xf32, #tpu.memory_space<vmem>>)
      %dma_wait3A_155 = arith.constant 256 : i32
      %dma_wait3A_156 = arith.constant 0 : i32
      %dma_wait3A_157 = tpu.memref_slice %arg12[%dma_wait3A_155, %dma_wait3A_156] : memref<640x64xf32, #tpu.memory_space<vmem>> -> memref<128x64xf32, #tpu.memory_space<vmem>>
      %dma_wait3A_158 = arith.constant 256 : i32
      %dma_wait3A_159 = tpu.memref_slice %arg9[%dma_wait3A_158] : memref<640xi32, #tpu.memory_space<vmem>> -> memref<128xi32, #tpu.memory_space<vmem>>
      %dma_wait3A_160 = arith.constant 0 : i32
      %dma_wait3A_161 = arith.constant 0 : i32
      %dma_wait3A_162 = tpu.memref_slice %arg6[%dma_wait3A_160, %dma_wait3A_161] : memref<1000000x64xf32, #tpu.memory_space<hbm>> -> memref<1000000x64xf32, #tpu.memory_space<hbm>>
      tpu.wait_indirect_dma semaphore(%arg15 : memref<!tpu.dma_semaphore, #tpu.memory_space<semaphore_mem>>) src(%dma_wait3A_162 : memref<1000000x64xf32, #tpu.memory_space<hbm>>) dst(%dma_wait3A_157 : memref<128x64xf32, #tpu.memory_space<vmem>>)
      %dma_wait3A_163 = arith.constant 384 : i32
      %dma_wait3A_164 = arith.constant 0 : i32
      %dma_wait3A_165 = tpu.memref_slice %arg12[%dma_wait3A_163, %dma_wait3A_164] : memref<640x64xf32, #tpu.memory_space<vmem>> -> memref<128x64xf32, #tpu.memory_space<vmem>>
      %dma_wait3A_166 = arith.constant 384 : i32
      %dma_wait3A_167 = tpu.memref_slice %arg9[%dma_wait3A_166] : memref<640xi32, #tpu.memory_space<vmem>> -> memref<128xi32, #tpu.memory_space<vmem>>
      %dma_wait3A_168 = arith.constant 0 : i32
      %dma_wait3A_169 = arith.constant 0 : i32
      %dma_wait3A_170 = tpu.memref_slice %arg6[%dma_wait3A_168, %dma_wait3A_169] : memref<1000000x64xf32, #tpu.memory_space<hbm>> -> memref<1000000x64xf32, #tpu.memory_space<hbm>>
      tpu.wait_indirect_dma semaphore(%arg15 : memref<!tpu.dma_semaphore, #tpu.memory_space<semaphore_mem>>) src(%dma_wait3A_170 : memref<1000000x64xf32, #tpu.memory_space<hbm>>) dst(%dma_wait3A_165 : memref<128x64xf32, #tpu.memory_space<vmem>>)
      %dma_wait3A_171 = arith.constant 512 : i32
      %dma_wait3A_172 = arith.constant 0 : i32
      %dma_wait3A_173 = tpu.memref_slice %arg12[%dma_wait3A_171, %dma_wait3A_172] : memref<640x64xf32, #tpu.memory_space<vmem>> -> memref<128x64xf32, #tpu.memory_space<vmem>>
      %dma_wait3A_174 = arith.constant 512 : i32
      %dma_wait3A_175 = tpu.memref_slice %arg9[%dma_wait3A_174] : memref<640xi32, #tpu.memory_space<vmem>> -> memref<128xi32, #tpu.memory_space<vmem>>
      %dma_wait3A_176 = arith.constant 0 : i32
      %dma_wait3A_177 = arith.constant 0 : i32
      %dma_wait3A_178 = tpu.memref_slice %arg6[%dma_wait3A_176, %dma_wait3A_177] : memref<1000000x64xf32, #tpu.memory_space<hbm>> -> memref<1000000x64xf32, #tpu.memory_space<hbm>>
      tpu.wait_indirect_dma semaphore(%arg15 : memref<!tpu.dma_semaphore, #tpu.memory_space<semaphore_mem>>) src(%dma_wait3A_178 : memref<1000000x64xf32, #tpu.memory_space<hbm>>) dst(%dma_wait3A_173 : memref<128x64xf32, #tpu.memory_space<vmem>>)
      %dma_wait3A_179 = arith.constant 0 : i32
      %dma_wait3A_180 = arith.constant 0 : i32
      %dma_wait3A_181 = tpu.memref_slice %arg6[%dma_wait3A_179, %dma_wait3A_180] : memref<1000000x64xf32, #tpu.memory_space<hbm>> -> memref<1000000x64xf32, #tpu.memory_space<hbm>>
      tpu.wait_indirect_dma semaphore(%arg15 : memref<!tpu.dma_semaphore, #tpu.memory_space<semaphore_mem>>) src(%dma_wait3A_181 : memref<1000000x64xf32, #tpu.memory_space<hbm>>) dst(%arg13 : memref<32x64xf32, #tpu.memory_space<vmem>>)
      %iota3A = tpu.iota {dimensions = array<i32: 0>} : vector<16xi32>
      %add3A_182 = arith.constant 8 : i32
      %add3A_183 = vector.broadcast %add3A_182 : i32 to vector<16xi32>
      %add3A_184 = arith.addi %iota3A, %add3A_183 : vector<16xi32>
      %and3A = arith.constant 15 : i32
      %and3A_185 = vector.broadcast %and3A : i32 to vector<16xi32>
      %and3A_186 = arith.andi %add3A_184, %and3A_185 : vector<16xi32>
      %add3A_187 = arith.constant 4 : i32
      %add3A_188 = vector.broadcast %add3A_187 : i32 to vector<16xi32>
      %add3A_189 = arith.addi %iota3A, %add3A_188 : vector<16xi32>
      %and3A_190 = arith.constant 15 : i32
      %and3A_191 = vector.broadcast %and3A_190 : i32 to vector<16xi32>
      %and3A_192 = arith.andi %add3A_189, %and3A_191 : vector<16xi32>
      %add3A_193 = arith.constant 2 : i32
      %add3A_194 = vector.broadcast %add3A_193 : i32 to vector<16xi32>
      %add3A_195 = arith.addi %iota3A, %add3A_194 : vector<16xi32>
      %and3A_196 = arith.constant 15 : i32
      %and3A_197 = vector.broadcast %and3A_196 : i32 to vector<16xi32>
      %and3A_198 = arith.andi %add3A_195, %and3A_197 : vector<16xi32>
      %add3A_199 = arith.constant 1 : i32
      %add3A_200 = vector.broadcast %add3A_199 : i32 to vector<16xi32>
      %add3A_201 = arith.addi %iota3A, %add3A_200 : vector<16xi32>
      %and3A_202 = arith.constant 15 : i32
      %and3A_203 = vector.broadcast %and3A_202 : i32 to vector<16xi32>
      %and3A_204 = arith.andi %add3A_201, %and3A_203 : vector<16xi32>
      %scan3A_205 = arith.constant 0 : i32
      %scan3A_206 = arith.constant 0 : i32
      %scan3A_207 = arith.constant 32 : i32
      %scan3A_208 = arith.addi %scan3A_206, %scan3A_207 : i32
      %scan3A_209 = arith.constant 1 : i32
      %scan3A_210 = scf.for %scan3A_213 = %scan3A_206 to %scan3A_208 step %scan3A_209 iter_args(%scan3A_214 = %scan3A_205) -> (i32)  : i32 {
        %mul3A_215 = arith.constant 20 : i32
        %mul3A_216 = arith.muli %scan3A_213, %mul3A_215 : i32
        %get3A = arith.index_cast %mul3A_216 : i32 to index
        %get3A_217 = arith.constant 0 : index
        %get3A_218 = tpu.vector_load %arg11[%get3A, %get3A_217] {strides = array<i32>} : memref<640x64xf32, #tpu.memory_space<vmem>>, vector<1x16xf32>,
        %get3A_219 = vector.shape_cast %get3A_218 : vector<1x16xf32> to vector<16xf32>
        %get3A_220 = arith.index_cast %mul3A_216 : i32 to index
        %get3A_221 = arith.constant 16 : index
        %get3A_222 = tpu.vector_load %arg11[%get3A_220, %get3A_221] {strides = array<i32>} : memref<640x64xf32, #tpu.memory_space<vmem>>, vector<1x16xf32>,
        %get3A_223 = vector.shape_cast %get3A_222 : vector<1x16xf32> to vector<16xf32>
        %get3A_224 = arith.index_cast %mul3A_216 : i32 to index
        %get3A_225 = arith.constant 32 : index
        %get3A_226 = tpu.vector_load %arg11[%get3A_224, %get3A_225] {strides = array<i32>} : memref<640x64xf32, #tpu.memory_space<vmem>>, vector<1x16xf32>,
        %get3A_227 = vector.shape_cast %get3A_226 : vector<1x16xf32> to vector<16xf32>
        %get3A_228 = arith.index_cast %mul3A_216 : i32 to index
        %get3A_229 = arith.constant 48 : index
        %get3A_230 = tpu.vector_load %arg11[%get3A_228, %get3A_229] {strides = array<i32>} : memref<640x64xf32, #tpu.memory_space<vmem>>, vector<1x16xf32>,
        %get3A_231 = vector.shape_cast %get3A_230 : vector<1x16xf32> to vector<16xf32>
        %add3A_232 = arith.constant 1 : i32
        %add3A_233 = arith.addi %mul3A_216, %add3A_232 : i32
        %get3A_234 = arith.index_cast %add3A_233 : i32 to index
        %get3A_235 = arith.constant 0 : index
        %get3A_236 = tpu.vector_load %arg11[%get3A_234, %get3A_235] {strides = array<i32>} : memref<640x64xf32, #tpu.memory_space<vmem>>, vector<1x16xf32>,
        %get3A_237 = vector.shape_cast %get3A_236 : vector<1x16xf32> to vector<16xf32>
        %add3A_238 = arith.addf %get3A_219, %get3A_237 : vector<16xf32>
        %add3A_239 = arith.constant 1 : i32
        %add3A_240 = arith.addi %mul3A_216, %add3A_239 : i32
        %get3A_241 = arith.index_cast %add3A_240 : i32 to index
        %get3A_242 = arith.constant 16 : index
        %get3A_243 = tpu.vector_load %arg11[%get3A_241, %get3A_242] {strides = array<i32>} : memref<640x64xf32, #tpu.memory_space<vmem>>, vector<1x16xf32>,
        %get3A_244 = vector.shape_cast %get3A_243 : vector<1x16xf32> to vector<16xf32>
        %add3A_245 = arith.addf %get3A_223, %get3A_244 : vector<16xf32>
        %add3A_246 = arith.constant 1 : i32
        %add3A_247 = arith.addi %mul3A_216, %add3A_246 : i32
        %get3A_248 = arith.index_cast %add3A_247 : i32 to index
        %get3A_249 = arith.constant 32 : index
        %get3A_250 = tpu.vector_load %arg11[%get3A_248, %get3A_249] {strides = array<i32>} : memref<640x64xf32, #tpu.memory_space<vmem>>, vector<1x16xf32>,
        %get3A_251 = vector.shape_cast %get3A_250 : vector<1x16xf32> to vector<16xf32>
        %add3A_252 = arith.addf %get3A_227, %get3A_251 : vector<16xf32>
        %add3A_253 = arith.constant 1 : i32
        %add3A_254 = arith.addi %mul3A_216, %add3A_253 : i32
        %get3A_255 = arith.index_cast %add3A_254 : i32 to index
        %get3A_256 = arith.constant 48 : index
        %get3A_257 = tpu.vector_load %arg11[%get3A_255, %get3A_256] {strides = array<i32>} : memref<640x64xf32, #tpu.memory_space<vmem>>, vector<1x16xf32>,
        %get3A_258 = vector.shape_cast %get3A_257 : vector<1x16xf32> to vector<16xf32>
        %add3A_259 = arith.addf %get3A_231, %get3A_258 : vector<16xf32>
        %add3A_260 = arith.constant 2 : i32
        %add3A_261 = arith.addi %mul3A_216, %add3A_260 : i32
        %get3A_262 = arith.index_cast %add3A_261 : i32 to index
        %get3A_263 = arith.constant 0 : index
        %get3A_264 = tpu.vector_load %arg11[%get3A_262, %get3A_263] {strides = array<i32>} : memref<640x64xf32, #tpu.memory_space<vmem>>, vector<1x16xf32>,
        %get3A_265 = vector.shape_cast %get3A_264 : vector<1x16xf32> to vector<16xf32>
        %add3A_266 = arith.addf %add3A_238, %get3A_265 : vector<16xf32>
        %add3A_267 = arith.constant 2 : i32
        %add3A_268 = arith.addi %mul3A_216, %add3A_267 : i32
        %get3A_269 = arith.index_cast %add3A_268 : i32 to index
        %get3A_270 = arith.constant 16 : index
        %get3A_271 = tpu.vector_load %arg11[%get3A_269, %get3A_270] {strides = array<i32>} : memref<640x64xf32, #tpu.memory_space<vmem>>, vector<1x16xf32>,
        %get3A_272 = vector.shape_cast %get3A_271 : vector<1x16xf32> to vector<16xf32>
        %add3A_273 = arith.addf %add3A_245, %get3A_272 : vector<16xf32>
        %add3A_274 = arith.constant 2 : i32
        %add3A_275 = arith.addi %mul3A_216, %add3A_274 : i32
        %get3A_276 = arith.index_cast %add3A_275 : i32 to index
        %get3A_277 = arith.constant 32 : index
        %get3A_278 = tpu.vector_load %arg11[%get3A_276, %get3A_277] {strides = array<i32>} : memref<640x64xf32, #tpu.memory_space<vmem>>, vector<1x16xf32>,
        %get3A_279 = vector.shape_cast %get3A_278 : vector<1x16xf32> to vector<16xf32>
        %add3A_280 = arith.addf %add3A_252, %get3A_279 : vector<16xf32>
        %add3A_281 = arith.constant 2 : i32
        %add3A_282 = arith.addi %mul3A_216, %add3A_281 : i32
        %get3A_283 = arith.index_cast %add3A_282 : i32 to index
        %get3A_284 = arith.constant 48 : index
        %get3A_285 = tpu.vector_load %arg11[%get3A_283, %get3A_284] {strides = array<i32>} : memref<640x64xf32, #tpu.memory_space<vmem>>, vector<1x16xf32>,
        %get3A_286 = vector.shape_cast %get3A_285 : vector<1x16xf32> to vector<16xf32>
        %add3A_287 = arith.addf %add3A_259, %get3A_286 : vector<16xf32>
        %add3A_288 = arith.constant 3 : i32
        %add3A_289 = arith.addi %mul3A_216, %add3A_288 : i32
        %get3A_290 = arith.index_cast %add3A_289 : i32 to index
        %get3A_291 = arith.constant 0 : index
        %get3A_292 = tpu.vector_load %arg11[%get3A_290, %get3A_291] {strides = array<i32>} : memref<640x64xf32, #tpu.memory_space<vmem>>, vector<1x16xf32>,
        %get3A_293 = vector.shape_cast %get3A_292 : vector<1x16xf32> to vector<16xf32>
        %add3A_294 = arith.addf %add3A_266, %get3A_293 : vector<16xf32>
        %add3A_295 = arith.constant 3 : i32
        %add3A_296 = arith.addi %mul3A_216, %add3A_295 : i32
        %get3A_297 = arith.index_cast %add3A_296 : i32 to index
        %get3A_298 = arith.constant 16 : index
        %get3A_299 = tpu.vector_load %arg11[%get3A_297, %get3A_298] {strides = array<i32>} : memref<640x64xf32, #tpu.memory_space<vmem>>, vector<1x16xf32>,
        %get3A_300 = vector.shape_cast %get3A_299 : vector<1x16xf32> to vector<16xf32>
        %add3A_301 = arith.addf %add3A_273, %get3A_300 : vector<16xf32>
        %add3A_302 = arith.constant 3 : i32
        %add3A_303 = arith.addi %mul3A_216, %add3A_302 : i32
        %get3A_304 = arith.index_cast %add3A_303 : i32 to index
        %get3A_305 = arith.constant 32 : index
        %get3A_306 = tpu.vector_load %arg11[%get3A_304, %get3A_305] {strides = array<i32>} : memref<640x64xf32, #tpu.memory_space<vmem>>, vector<1x16xf32>,
        %get3A_307 = vector.shape_cast %get3A_306 : vector<1x16xf32> to vector<16xf32>
        %add3A_308 = arith.addf %add3A_280, %get3A_307 : vector<16xf32>
        %add3A_309 = arith.constant 3 : i32
        %add3A_310 = arith.addi %mul3A_216, %add3A_309 : i32
        %get3A_311 = arith.index_cast %add3A_310 : i32 to index
        %get3A_312 = arith.constant 48 : index
        %get3A_313 = tpu.vector_load %arg11[%get3A_311, %get3A_312] {strides = array<i32>} : memref<640x64xf32, #tpu.memory_space<vmem>>, vector<1x16xf32>,
        %get3A_314 = vector.shape_cast %get3A_313 : vector<1x16xf32> to vector<16xf32>
        %add3A_315 = arith.addf %add3A_287, %get3A_314 : vector<16xf32>
        %add3A_316 = arith.constant 4 : i32
        %add3A_317 = arith.addi %mul3A_216, %add3A_316 : i32
        %get3A_318 = arith.index_cast %add3A_317 : i32 to index
        %get3A_319 = arith.constant 0 : index
        %get3A_320 = tpu.vector_load %arg11[%get3A_318, %get3A_319] {strides = array<i32>} : memref<640x64xf32, #tpu.memory_space<vmem>>, vector<1x16xf32>,
        %get3A_321 = vector.shape_cast %get3A_320 : vector<1x16xf32> to vector<16xf32>
        %add3A_322 = arith.addf %add3A_294, %get3A_321 : vector<16xf32>
        %add3A_323 = arith.constant 4 : i32
        %add3A_324 = arith.addi %mul3A_216, %add3A_323 : i32
        %get3A_325 = arith.index_cast %add3A_324 : i32 to index
        %get3A_326 = arith.constant 16 : index
        %get3A_327 = tpu.vector_load %arg11[%get3A_325, %get3A_326] {strides = array<i32>} : memref<640x64xf32, #tpu.memory_space<vmem>>, vector<1x16xf32>,
        %get3A_328 = vector.shape_cast %get3A_327 : vector<1x16xf32> to vector<16xf32>
        %add3A_329 = arith.addf %add3A_301, %get3A_328 : vector<16xf32>
        %add3A_330 = arith.constant 4 : i32
        %add3A_331 = arith.addi %mul3A_216, %add3A_330 : i32
        %get3A_332 = arith.index_cast %add3A_331 : i32 to index
        %get3A_333 = arith.constant 32 : index
        %get3A_334 = tpu.vector_load %arg11[%get3A_332, %get3A_333] {strides = array<i32>} : memref<640x64xf32, #tpu.memory_space<vmem>>, vector<1x16xf32>,
        %get3A_335 = vector.shape_cast %get3A_334 : vector<1x16xf32> to vector<16xf32>
        %add3A_336 = arith.addf %add3A_308, %get3A_335 : vector<16xf32>
        %add3A_337 = arith.constant 4 : i32
        %add3A_338 = arith.addi %mul3A_216, %add3A_337 : i32
        %get3A_339 = arith.index_cast %add3A_338 : i32 to index
        %get3A_340 = arith.constant 48 : index
        %get3A_341 = tpu.vector_load %arg11[%get3A_339, %get3A_340] {strides = array<i32>} : memref<640x64xf32, #tpu.memory_space<vmem>>, vector<1x16xf32>,
        %get3A_342 = vector.shape_cast %get3A_341 : vector<1x16xf32> to vector<16xf32>
        %add3A_343 = arith.addf %add3A_315, %get3A_342 : vector<16xf32>
        %add3A_344 = arith.constant 5 : i32
        %add3A_345 = arith.addi %mul3A_216, %add3A_344 : i32
        %get3A_346 = arith.index_cast %add3A_345 : i32 to index
        %get3A_347 = arith.constant 0 : index
        %get3A_348 = tpu.vector_load %arg11[%get3A_346, %get3A_347] {strides = array<i32>} : memref<640x64xf32, #tpu.memory_space<vmem>>, vector<1x16xf32>,
        %get3A_349 = vector.shape_cast %get3A_348 : vector<1x16xf32> to vector<16xf32>
        %add3A_350 = arith.addf %add3A_322, %get3A_349 : vector<16xf32>
        %add3A_351 = arith.constant 5 : i32
        %add3A_352 = arith.addi %mul3A_216, %add3A_351 : i32
        %get3A_353 = arith.index_cast %add3A_352 : i32 to index
        %get3A_354 = arith.constant 16 : index
        %get3A_355 = tpu.vector_load %arg11[%get3A_353, %get3A_354] {strides = array<i32>} : memref<640x64xf32, #tpu.memory_space<vmem>>, vector<1x16xf32>,
        %get3A_356 = vector.shape_cast %get3A_355 : vector<1x16xf32> to vector<16xf32>
        %add3A_357 = arith.addf %add3A_329, %get3A_356 : vector<16xf32>
        %add3A_358 = arith.constant 5 : i32
        %add3A_359 = arith.addi %mul3A_216, %add3A_358 : i32
        %get3A_360 = arith.index_cast %add3A_359 : i32 to index
        %get3A_361 = arith.constant 32 : index
        %get3A_362 = tpu.vector_load %arg11[%get3A_360, %get3A_361] {strides = array<i32>} : memref<640x64xf32, #tpu.memory_space<vmem>>, vector<1x16xf32>,
        %get3A_363 = vector.shape_cast %get3A_362 : vector<1x16xf32> to vector<16xf32>
        %add3A_364 = arith.addf %add3A_336, %get3A_363 : vector<16xf32>
        %add3A_365 = arith.constant 5 : i32
        %add3A_366 = arith.addi %mul3A_216, %add3A_365 : i32
        %get3A_367 = arith.index_cast %add3A_366 : i32 to index
        %get3A_368 = arith.constant 48 : index
        %get3A_369 = tpu.vector_load %arg11[%get3A_367, %get3A_368] {strides = array<i32>} : memref<640x64xf32, #tpu.memory_space<vmem>>, vector<1x16xf32>,
        %get3A_370 = vector.shape_cast %get3A_369 : vector<1x16xf32> to vector<16xf32>
        %add3A_371 = arith.addf %add3A_343, %get3A_370 : vector<16xf32>
        %add3A_372 = arith.constant 6 : i32
        %add3A_373 = arith.addi %mul3A_216, %add3A_372 : i32
        %get3A_374 = arith.index_cast %add3A_373 : i32 to index
        %get3A_375 = arith.constant 0 : index
        %get3A_376 = tpu.vector_load %arg11[%get3A_374, %get3A_375] {strides = array<i32>} : memref<640x64xf32, #tpu.memory_space<vmem>>, vector<1x16xf32>,
        %get3A_377 = vector.shape_cast %get3A_376 : vector<1x16xf32> to vector<16xf32>
        %add3A_378 = arith.addf %add3A_350, %get3A_377 : vector<16xf32>
        %add3A_379 = arith.constant 6 : i32
        %add3A_380 = arith.addi %mul3A_216, %add3A_379 : i32
        %get3A_381 = arith.index_cast %add3A_380 : i32 to index
        %get3A_382 = arith.constant 16 : index
        %get3A_383 = tpu.vector_load %arg11[%get3A_381, %get3A_382] {strides = array<i32>} : memref<640x64xf32, #tpu.memory_space<vmem>>, vector<1x16xf32>,
        %get3A_384 = vector.shape_cast %get3A_383 : vector<1x16xf32> to vector<16xf32>
        %add3A_385 = arith.addf %add3A_357, %get3A_384 : vector<16xf32>
        %add3A_386 = arith.constant 6 : i32
        %add3A_387 = arith.addi %mul3A_216, %add3A_386 : i32
        %get3A_388 = arith.index_cast %add3A_387 : i32 to index
        %get3A_389 = arith.constant 32 : index
        %get3A_390 = tpu.vector_load %arg11[%get3A_388, %get3A_389] {strides = array<i32>} : memref<640x64xf32, #tpu.memory_space<vmem>>, vector<1x16xf32>,
        %get3A_391 = vector.shape_cast %get3A_390 : vector<1x16xf32> to vector<16xf32>
        %add3A_392 = arith.addf %add3A_364, %get3A_391 : vector<16xf32>
        %add3A_393 = arith.constant 6 : i32
        %add3A_394 = arith.addi %mul3A_216, %add3A_393 : i32
        %get3A_395 = arith.index_cast %add3A_394 : i32 to index
        %get3A_396 = arith.constant 48 : index
        %get3A_397 = tpu.vector_load %arg11[%get3A_395, %get3A_396] {strides = array<i32>} : memref<640x64xf32, #tpu.memory_space<vmem>>, vector<1x16xf32>,
        %get3A_398 = vector.shape_cast %get3A_397 : vector<1x16xf32> to vector<16xf32>
        %add3A_399 = arith.addf %add3A_371, %get3A_398 : vector<16xf32>
        %add3A_400 = arith.constant 7 : i32
        %add3A_401 = arith.addi %mul3A_216, %add3A_400 : i32
        %get3A_402 = arith.index_cast %add3A_401 : i32 to index
        %get3A_403 = arith.constant 0 : index
        %get3A_404 = tpu.vector_load %arg11[%get3A_402, %get3A_403] {strides = array<i32>} : memref<640x64xf32, #tpu.memory_space<vmem>>, vector<1x16xf32>,
        %get3A_405 = vector.shape_cast %get3A_404 : vector<1x16xf32> to vector<16xf32>
        %add3A_406 = arith.addf %add3A_378, %get3A_405 : vector<16xf32>
        %add3A_407 = arith.constant 7 : i32
        %add3A_408 = arith.addi %mul3A_216, %add3A_407 : i32
        %get3A_409 = arith.index_cast %add3A_408 : i32 to index
        %get3A_410 = arith.constant 16 : index
        %get3A_411 = tpu.vector_load %arg11[%get3A_409, %get3A_410] {strides = array<i32>} : memref<640x64xf32, #tpu.memory_space<vmem>>, vector<1x16xf32>,
        %get3A_412 = vector.shape_cast %get3A_411 : vector<1x16xf32> to vector<16xf32>
        %add3A_413 = arith.addf %add3A_385, %get3A_412 : vector<16xf32>
        %add3A_414 = arith.constant 7 : i32
        %add3A_415 = arith.addi %mul3A_216, %add3A_414 : i32
        %get3A_416 = arith.index_cast %add3A_415 : i32 to index
        %get3A_417 = arith.constant 32 : index
        %get3A_418 = tpu.vector_load %arg11[%get3A_416, %get3A_417] {strides = array<i32>} : memref<640x64xf32, #tpu.memory_space<vmem>>, vector<1x16xf32>,
        %get3A_419 = vector.shape_cast %get3A_418 : vector<1x16xf32> to vector<16xf32>
        %add3A_420 = arith.addf %add3A_392, %get3A_419 : vector<16xf32>
        %add3A_421 = arith.constant 7 : i32
        %add3A_422 = arith.addi %mul3A_216, %add3A_421 : i32
        %get3A_423 = arith.index_cast %add3A_422 : i32 to index
        %get3A_424 = arith.constant 48 : index
        %get3A_425 = tpu.vector_load %arg11[%get3A_423, %get3A_424] {strides = array<i32>} : memref<640x64xf32, #tpu.memory_space<vmem>>, vector<1x16xf32>,
        %get3A_426 = vector.shape_cast %get3A_425 : vector<1x16xf32> to vector<16xf32>
        %add3A_427 = arith.addf %add3A_399, %get3A_426 : vector<16xf32>
        %add3A_428 = arith.constant 8 : i32
        %add3A_429 = arith.addi %mul3A_216, %add3A_428 : i32
        %get3A_430 = arith.index_cast %add3A_429 : i32 to index
        %get3A_431 = arith.constant 0 : index
        %get3A_432 = tpu.vector_load %arg11[%get3A_430, %get3A_431] {strides = array<i32>} : memref<640x64xf32, #tpu.memory_space<vmem>>, vector<1x16xf32>,
        %get3A_433 = vector.shape_cast %get3A_432 : vector<1x16xf32> to vector<16xf32>
        %add3A_434 = arith.addf %add3A_406, %get3A_433 : vector<16xf32>
        %add3A_435 = arith.constant 8 : i32
        %add3A_436 = arith.addi %mul3A_216, %add3A_435 : i32
        %get3A_437 = arith.index_cast %add3A_436 : i32 to index
        %get3A_438 = arith.constant 16 : index
        %get3A_439 = tpu.vector_load %arg11[%get3A_437, %get3A_438] {strides = array<i32>} : memref<640x64xf32, #tpu.memory_space<vmem>>, vector<1x16xf32>,
        %get3A_440 = vector.shape_cast %get3A_439 : vector<1x16xf32> to vector<16xf32>
        %add3A_441 = arith.addf %add3A_413, %get3A_440 : vector<16xf32>
        %add3A_442 = arith.constant 8 : i32
        %add3A_443 = arith.addi %mul3A_216, %add3A_442 : i32
        %get3A_444 = arith.index_cast %add3A_443 : i32 to index
        %get3A_445 = arith.constant 32 : index
        %get3A_446 = tpu.vector_load %arg11[%get3A_444, %get3A_445] {strides = array<i32>} : memref<640x64xf32, #tpu.memory_space<vmem>>, vector<1x16xf32>,
        %get3A_447 = vector.shape_cast %get3A_446 : vector<1x16xf32> to vector<16xf32>
        %add3A_448 = arith.addf %add3A_420, %get3A_447 : vector<16xf32>
        %add3A_449 = arith.constant 8 : i32
        %add3A_450 = arith.addi %mul3A_216, %add3A_449 : i32
        %get3A_451 = arith.index_cast %add3A_450 : i32 to index
        %get3A_452 = arith.constant 48 : index
        %get3A_453 = tpu.vector_load %arg11[%get3A_451, %get3A_452] {strides = array<i32>} : memref<640x64xf32, #tpu.memory_space<vmem>>, vector<1x16xf32>,
        %get3A_454 = vector.shape_cast %get3A_453 : vector<1x16xf32> to vector<16xf32>
        %add3A_455 = arith.addf %add3A_427, %get3A_454 : vector<16xf32>
        %add3A_456 = arith.constant 9 : i32
        %add3A_457 = arith.addi %mul3A_216, %add3A_456 : i32
        %get3A_458 = arith.index_cast %add3A_457 : i32 to index
        %get3A_459 = arith.constant 0 : index
        %get3A_460 = tpu.vector_load %arg11[%get3A_458, %get3A_459] {strides = array<i32>} : memref<640x64xf32, #tpu.memory_space<vmem>>, vector<1x16xf32>,
        %get3A_461 = vector.shape_cast %get3A_460 : vector<1x16xf32> to vector<16xf32>
        %add3A_462 = arith.addf %add3A_434, %get3A_461 : vector<16xf32>
        %add3A_463 = arith.constant 9 : i32
        %add3A_464 = arith.addi %mul3A_216, %add3A_463 : i32
        %get3A_465 = arith.index_cast %add3A_464 : i32 to index
        %get3A_466 = arith.constant 16 : index
        %get3A_467 = tpu.vector_load %arg11[%get3A_465, %get3A_466] {strides = array<i32>} : memref<640x64xf32, #tpu.memory_space<vmem>>, vector<1x16xf32>,
        %get3A_468 = vector.shape_cast %get3A_467 : vector<1x16xf32> to vector<16xf32>
        %add3A_469 = arith.addf %add3A_441, %get3A_468 : vector<16xf32>
        %add3A_470 = arith.constant 9 : i32
        %add3A_471 = arith.addi %mul3A_216, %add3A_470 : i32
        %get3A_472 = arith.index_cast %add3A_471 : i32 to index
        %get3A_473 = arith.constant 32 : index
        %get3A_474 = tpu.vector_load %arg11[%get3A_472, %get3A_473] {strides = array<i32>} : memref<640x64xf32, #tpu.memory_space<vmem>>, vector<1x16xf32>,
        %get3A_475 = vector.shape_cast %get3A_474 : vector<1x16xf32> to vector<16xf32>
        %add3A_476 = arith.addf %add3A_448, %get3A_475 : vector<16xf32>
        %add3A_477 = arith.constant 9 : i32
        %add3A_478 = arith.addi %mul3A_216, %add3A_477 : i32
        %get3A_479 = arith.index_cast %add3A_478 : i32 to index
        %get3A_480 = arith.constant 48 : index
        %get3A_481 = tpu.vector_load %arg11[%get3A_479, %get3A_480] {strides = array<i32>} : memref<640x64xf32, #tpu.memory_space<vmem>>, vector<1x16xf32>,
        %get3A_482 = vector.shape_cast %get3A_481 : vector<1x16xf32> to vector<16xf32>
        %add3A_483 = arith.addf %add3A_455, %get3A_482 : vector<16xf32>
        %add3A_484 = arith.constant 10 : i32
        %add3A_485 = arith.addi %mul3A_216, %add3A_484 : i32
        %get3A_486 = arith.index_cast %add3A_485 : i32 to index
        %get3A_487 = arith.constant 0 : index
        %get3A_488 = tpu.vector_load %arg11[%get3A_486, %get3A_487] {strides = array<i32>} : memref<640x64xf32, #tpu.memory_space<vmem>>, vector<1x16xf32>,
        %get3A_489 = vector.shape_cast %get3A_488 : vector<1x16xf32> to vector<16xf32>
        %add3A_490 = arith.addf %add3A_462, %get3A_489 : vector<16xf32>
        %add3A_491 = arith.constant 10 : i32
        %add3A_492 = arith.addi %mul3A_216, %add3A_491 : i32
        %get3A_493 = arith.index_cast %add3A_492 : i32 to index
        %get3A_494 = arith.constant 16 : index
        %get3A_495 = tpu.vector_load %arg11[%get3A_493, %get3A_494] {strides = array<i32>} : memref<640x64xf32, #tpu.memory_space<vmem>>, vector<1x16xf32>,
        %get3A_496 = vector.shape_cast %get3A_495 : vector<1x16xf32> to vector<16xf32>
        %add3A_497 = arith.addf %add3A_469, %get3A_496 : vector<16xf32>
        %add3A_498 = arith.constant 10 : i32
        %add3A_499 = arith.addi %mul3A_216, %add3A_498 : i32
        %get3A_500 = arith.index_cast %add3A_499 : i32 to index
        %get3A_501 = arith.constant 32 : index
        %get3A_502 = tpu.vector_load %arg11[%get3A_500, %get3A_501] {strides = array<i32>} : memref<640x64xf32, #tpu.memory_space<vmem>>, vector<1x16xf32>,
        %get3A_503 = vector.shape_cast %get3A_502 : vector<1x16xf32> to vector<16xf32>
        %add3A_504 = arith.addf %add3A_476, %get3A_503 : vector<16xf32>
        %add3A_505 = arith.constant 10 : i32
        %add3A_506 = arith.addi %mul3A_216, %add3A_505 : i32
        %get3A_507 = arith.index_cast %add3A_506 : i32 to index
        %get3A_508 = arith.constant 48 : index
        %get3A_509 = tpu.vector_load %arg11[%get3A_507, %get3A_508] {strides = array<i32>} : memref<640x64xf32, #tpu.memory_space<vmem>>, vector<1x16xf32>,
        %get3A_510 = vector.shape_cast %get3A_509 : vector<1x16xf32> to vector<16xf32>
        %add3A_511 = arith.addf %add3A_483, %get3A_510 : vector<16xf32>
        %add3A_512 = arith.constant 11 : i32
        %add3A_513 = arith.addi %mul3A_216, %add3A_512 : i32
        %get3A_514 = arith.index_cast %add3A_513 : i32 to index
        %get3A_515 = arith.constant 0 : index
        %get3A_516 = tpu.vector_load %arg11[%get3A_514, %get3A_515] {strides = array<i32>} : memref<640x64xf32, #tpu.memory_space<vmem>>, vector<1x16xf32>,
        %get3A_517 = vector.shape_cast %get3A_516 : vector<1x16xf32> to vector<16xf32>
        %add3A_518 = arith.addf %add3A_490, %get3A_517 : vector<16xf32>
        %add3A_519 = arith.constant 11 : i32
        %add3A_520 = arith.addi %mul3A_216, %add3A_519 : i32
        %get3A_521 = arith.index_cast %add3A_520 : i32 to index
        %get3A_522 = arith.constant 16 : index
        %get3A_523 = tpu.vector_load %arg11[%get3A_521, %get3A_522] {strides = array<i32>} : memref<640x64xf32, #tpu.memory_space<vmem>>, vector<1x16xf32>,
        %get3A_524 = vector.shape_cast %get3A_523 : vector<1x16xf32> to vector<16xf32>
        %add3A_525 = arith.addf %add3A_497, %get3A_524 : vector<16xf32>
        %add3A_526 = arith.constant 11 : i32
        %add3A_527 = arith.addi %mul3A_216, %add3A_526 : i32
        %get3A_528 = arith.index_cast %add3A_527 : i32 to index
        %get3A_529 = arith.constant 32 : index
        %get3A_530 = tpu.vector_load %arg11[%get3A_528, %get3A_529] {strides = array<i32>} : memref<640x64xf32, #tpu.memory_space<vmem>>, vector<1x16xf32>,
        %get3A_531 = vector.shape_cast %get3A_530 : vector<1x16xf32> to vector<16xf32>
        %add3A_532 = arith.addf %add3A_504, %get3A_531 : vector<16xf32>
        %add3A_533 = arith.constant 11 : i32
        %add3A_534 = arith.addi %mul3A_216, %add3A_533 : i32
        %get3A_535 = arith.index_cast %add3A_534 : i32 to index
        %get3A_536 = arith.constant 48 : index
        %get3A_537 = tpu.vector_load %arg11[%get3A_535, %get3A_536] {strides = array<i32>} : memref<640x64xf32, #tpu.memory_space<vmem>>, vector<1x16xf32>,
        %get3A_538 = vector.shape_cast %get3A_537 : vector<1x16xf32> to vector<16xf32>
        %add3A_539 = arith.addf %add3A_511, %get3A_538 : vector<16xf32>
        %add3A_540 = arith.constant 12 : i32
        %add3A_541 = arith.addi %mul3A_216, %add3A_540 : i32
        %get3A_542 = arith.index_cast %add3A_541 : i32 to index
        %get3A_543 = arith.constant 0 : index
        %get3A_544 = tpu.vector_load %arg11[%get3A_542, %get3A_543] {strides = array<i32>} : memref<640x64xf32, #tpu.memory_space<vmem>>, vector<1x16xf32>,
        %get3A_545 = vector.shape_cast %get3A_544 : vector<1x16xf32> to vector<16xf32>
        %add3A_546 = arith.addf %add3A_518, %get3A_545 : vector<16xf32>
        %add3A_547 = arith.constant 12 : i32
        %add3A_548 = arith.addi %mul3A_216, %add3A_547 : i32
        %get3A_549 = arith.index_cast %add3A_548 : i32 to index
        %get3A_550 = arith.constant 16 : index
        %get3A_551 = tpu.vector_load %arg11[%get3A_549, %get3A_550] {strides = array<i32>} : memref<640x64xf32, #tpu.memory_space<vmem>>, vector<1x16xf32>,
        %get3A_552 = vector.shape_cast %get3A_551 : vector<1x16xf32> to vector<16xf32>
        %add3A_553 = arith.addf %add3A_525, %get3A_552 : vector<16xf32>
        %add3A_554 = arith.constant 12 : i32
        %add3A_555 = arith.addi %mul3A_216, %add3A_554 : i32
        %get3A_556 = arith.index_cast %add3A_555 : i32 to index
        %get3A_557 = arith.constant 32 : index
        %get3A_558 = tpu.vector_load %arg11[%get3A_556, %get3A_557] {strides = array<i32>} : memref<640x64xf32, #tpu.memory_space<vmem>>, vector<1x16xf32>,
        %get3A_559 = vector.shape_cast %get3A_558 : vector<1x16xf32> to vector<16xf32>
        %add3A_560 = arith.addf %add3A_532, %get3A_559 : vector<16xf32>
        %add3A_561 = arith.constant 12 : i32
        %add3A_562 = arith.addi %mul3A_216, %add3A_561 : i32
        %get3A_563 = arith.index_cast %add3A_562 : i32 to index
        %get3A_564 = arith.constant 48 : index
        %get3A_565 = tpu.vector_load %arg11[%get3A_563, %get3A_564] {strides = array<i32>} : memref<640x64xf32, #tpu.memory_space<vmem>>, vector<1x16xf32>,
        %get3A_566 = vector.shape_cast %get3A_565 : vector<1x16xf32> to vector<16xf32>
        %add3A_567 = arith.addf %add3A_539, %get3A_566 : vector<16xf32>
        %add3A_568 = arith.constant 13 : i32
        %add3A_569 = arith.addi %mul3A_216, %add3A_568 : i32
        %get3A_570 = arith.index_cast %add3A_569 : i32 to index
        %get3A_571 = arith.constant 0 : index
        %get3A_572 = tpu.vector_load %arg11[%get3A_570, %get3A_571] {strides = array<i32>} : memref<640x64xf32, #tpu.memory_space<vmem>>, vector<1x16xf32>,
        %get3A_573 = vector.shape_cast %get3A_572 : vector<1x16xf32> to vector<16xf32>
        %add3A_574 = arith.addf %add3A_546, %get3A_573 : vector<16xf32>
        %add3A_575 = arith.constant 13 : i32
        %add3A_576 = arith.addi %mul3A_216, %add3A_575 : i32
        %get3A_577 = arith.index_cast %add3A_576 : i32 to index
        %get3A_578 = arith.constant 16 : index
        %get3A_579 = tpu.vector_load %arg11[%get3A_577, %get3A_578] {strides = array<i32>} : memref<640x64xf32, #tpu.memory_space<vmem>>, vector<1x16xf32>,
        %get3A_580 = vector.shape_cast %get3A_579 : vector<1x16xf32> to vector<16xf32>
        %add3A_581 = arith.addf %add3A_553, %get3A_580 : vector<16xf32>
        %add3A_582 = arith.constant 13 : i32
        %add3A_583 = arith.addi %mul3A_216, %add3A_582 : i32
        %get3A_584 = arith.index_cast %add3A_583 : i32 to index
        %get3A_585 = arith.constant 32 : index
        %get3A_586 = tpu.vector_load %arg11[%get3A_584, %get3A_585] {strides = array<i32>} : memref<640x64xf32, #tpu.memory_space<vmem>>, vector<1x16xf32>,
        %get3A_587 = vector.shape_cast %get3A_586 : vector<1x16xf32> to vector<16xf32>
        %add3A_588 = arith.addf %add3A_560, %get3A_587 : vector<16xf32>
        %add3A_589 = arith.constant 13 : i32
        %add3A_590 = arith.addi %mul3A_216, %add3A_589 : i32
        %get3A_591 = arith.index_cast %add3A_590 : i32 to index
        %get3A_592 = arith.constant 48 : index
        %get3A_593 = tpu.vector_load %arg11[%get3A_591, %get3A_592] {strides = array<i32>} : memref<640x64xf32, #tpu.memory_space<vmem>>, vector<1x16xf32>,
        %get3A_594 = vector.shape_cast %get3A_593 : vector<1x16xf32> to vector<16xf32>
        %add3A_595 = arith.addf %add3A_567, %get3A_594 : vector<16xf32>
        %add3A_596 = arith.constant 14 : i32
        %add3A_597 = arith.addi %mul3A_216, %add3A_596 : i32
        %get3A_598 = arith.index_cast %add3A_597 : i32 to index
        %get3A_599 = arith.constant 0 : index
        %get3A_600 = tpu.vector_load %arg11[%get3A_598, %get3A_599] {strides = array<i32>} : memref<640x64xf32, #tpu.memory_space<vmem>>, vector<1x16xf32>,
        %get3A_601 = vector.shape_cast %get3A_600 : vector<1x16xf32> to vector<16xf32>
        %add3A_602 = arith.addf %add3A_574, %get3A_601 : vector<16xf32>
        %add3A_603 = arith.constant 14 : i32
        %add3A_604 = arith.addi %mul3A_216, %add3A_603 : i32
        %get3A_605 = arith.index_cast %add3A_604 : i32 to index
        %get3A_606 = arith.constant 16 : index
        %get3A_607 = tpu.vector_load %arg11[%get3A_605, %get3A_606] {strides = array<i32>} : memref<640x64xf32, #tpu.memory_space<vmem>>, vector<1x16xf32>,
        %get3A_608 = vector.shape_cast %get3A_607 : vector<1x16xf32> to vector<16xf32>
        %add3A_609 = arith.addf %add3A_581, %get3A_608 : vector<16xf32>
        %add3A_610 = arith.constant 14 : i32
        %add3A_611 = arith.addi %mul3A_216, %add3A_610 : i32
        %get3A_612 = arith.index_cast %add3A_611 : i32 to index
        %get3A_613 = arith.constant 32 : index
        %get3A_614 = tpu.vector_load %arg11[%get3A_612, %get3A_613] {strides = array<i32>} : memref<640x64xf32, #tpu.memory_space<vmem>>, vector<1x16xf32>,
        %get3A_615 = vector.shape_cast %get3A_614 : vector<1x16xf32> to vector<16xf32>
        %add3A_616 = arith.addf %add3A_588, %get3A_615 : vector<16xf32>
        %add3A_617 = arith.constant 14 : i32
        %add3A_618 = arith.addi %mul3A_216, %add3A_617 : i32
        %get3A_619 = arith.index_cast %add3A_618 : i32 to index
        %get3A_620 = arith.constant 48 : index
        %get3A_621 = tpu.vector_load %arg11[%get3A_619, %get3A_620] {strides = array<i32>} : memref<640x64xf32, #tpu.memory_space<vmem>>, vector<1x16xf32>,
        %get3A_622 = vector.shape_cast %get3A_621 : vector<1x16xf32> to vector<16xf32>
        %add3A_623 = arith.addf %add3A_595, %get3A_622 : vector<16xf32>
        %add3A_624 = arith.constant 15 : i32
        %add3A_625 = arith.addi %mul3A_216, %add3A_624 : i32
        %get3A_626 = arith.index_cast %add3A_625 : i32 to index
        %get3A_627 = arith.constant 0 : index
        %get3A_628 = tpu.vector_load %arg11[%get3A_626, %get3A_627] {strides = array<i32>} : memref<640x64xf32, #tpu.memory_space<vmem>>, vector<1x16xf32>,
        %get3A_629 = vector.shape_cast %get3A_628 : vector<1x16xf32> to vector<16xf32>
        %add3A_630 = arith.addf %add3A_602, %get3A_629 : vector<16xf32>
        %add3A_631 = arith.constant 15 : i32
        %add3A_632 = arith.addi %mul3A_216, %add3A_631 : i32
        %get3A_633 = arith.index_cast %add3A_632 : i32 to index
        %get3A_634 = arith.constant 16 : index
        %get3A_635 = tpu.vector_load %arg11[%get3A_633, %get3A_634] {strides = array<i32>} : memref<640x64xf32, #tpu.memory_space<vmem>>, vector<1x16xf32>,
        %get3A_636 = vector.shape_cast %get3A_635 : vector<1x16xf32> to vector<16xf32>
        %add3A_637 = arith.addf %add3A_609, %get3A_636 : vector<16xf32>
        %add3A_638 = arith.constant 15 : i32
        %add3A_639 = arith.addi %mul3A_216, %add3A_638 : i32
        %get3A_640 = arith.index_cast %add3A_639 : i32 to index
        %get3A_641 = arith.constant 32 : index
        %get3A_642 = tpu.vector_load %arg11[%get3A_640, %get3A_641] {strides = array<i32>} : memref<640x64xf32, #tpu.memory_space<vmem>>, vector<1x16xf32>,
        %get3A_643 = vector.shape_cast %get3A_642 : vector<1x16xf32> to vector<16xf32>
        %add3A_644 = arith.addf %add3A_616, %get3A_643 : vector<16xf32>
        %add3A_645 = arith.constant 15 : i32
        %add3A_646 = arith.addi %mul3A_216, %add3A_645 : i32
        %get3A_647 = arith.index_cast %add3A_646 : i32 to index
        %get3A_648 = arith.constant 48 : index
        %get3A_649 = tpu.vector_load %arg11[%get3A_647, %get3A_648] {strides = array<i32>} : memref<640x64xf32, #tpu.memory_space<vmem>>, vector<1x16xf32>,
        %get3A_650 = vector.shape_cast %get3A_649 : vector<1x16xf32> to vector<16xf32>
        %add3A_651 = arith.addf %add3A_623, %get3A_650 : vector<16xf32>
        %add3A_652 = arith.constant 16 : i32
        %add3A_653 = arith.addi %mul3A_216, %add3A_652 : i32
        %get3A_654 = arith.index_cast %add3A_653 : i32 to index
        %get3A_655 = arith.constant 0 : index
        %get3A_656 = tpu.vector_load %arg11[%get3A_654, %get3A_655] {strides = array<i32>} : memref<640x64xf32, #tpu.memory_space<vmem>>, vector<1x16xf32>,
        %get3A_657 = vector.shape_cast %get3A_656 : vector<1x16xf32> to vector<16xf32>
        %add3A_658 = arith.addf %add3A_630, %get3A_657 : vector<16xf32>
        %add3A_659 = arith.constant 16 : i32
        %add3A_660 = arith.addi %mul3A_216, %add3A_659 : i32
        %get3A_661 = arith.index_cast %add3A_660 : i32 to index
        %get3A_662 = arith.constant 16 : index
        %get3A_663 = tpu.vector_load %arg11[%get3A_661, %get3A_662] {strides = array<i32>} : memref<640x64xf32, #tpu.memory_space<vmem>>, vector<1x16xf32>,
        %get3A_664 = vector.shape_cast %get3A_663 : vector<1x16xf32> to vector<16xf32>
        %add3A_665 = arith.addf %add3A_637, %get3A_664 : vector<16xf32>
        %add3A_666 = arith.constant 16 : i32
        %add3A_667 = arith.addi %mul3A_216, %add3A_666 : i32
        %get3A_668 = arith.index_cast %add3A_667 : i32 to index
        %get3A_669 = arith.constant 32 : index
        %get3A_670 = tpu.vector_load %arg11[%get3A_668, %get3A_669] {strides = array<i32>} : memref<640x64xf32, #tpu.memory_space<vmem>>, vector<1x16xf32>,
        %get3A_671 = vector.shape_cast %get3A_670 : vector<1x16xf32> to vector<16xf32>
        %add3A_672 = arith.addf %add3A_644, %get3A_671 : vector<16xf32>
        %add3A_673 = arith.constant 16 : i32
        %add3A_674 = arith.addi %mul3A_216, %add3A_673 : i32
        %get3A_675 = arith.index_cast %add3A_674 : i32 to index
        %get3A_676 = arith.constant 48 : index
        %get3A_677 = tpu.vector_load %arg11[%get3A_675, %get3A_676] {strides = array<i32>} : memref<640x64xf32, #tpu.memory_space<vmem>>, vector<1x16xf32>,
        %get3A_678 = vector.shape_cast %get3A_677 : vector<1x16xf32> to vector<16xf32>
        %add3A_679 = arith.addf %add3A_651, %get3A_678 : vector<16xf32>
        %add3A_680 = arith.constant 17 : i32
        %add3A_681 = arith.addi %mul3A_216, %add3A_680 : i32
        %get3A_682 = arith.index_cast %add3A_681 : i32 to index
        %get3A_683 = arith.constant 0 : index
        %get3A_684 = tpu.vector_load %arg11[%get3A_682, %get3A_683] {strides = array<i32>} : memref<640x64xf32, #tpu.memory_space<vmem>>, vector<1x16xf32>,
        %get3A_685 = vector.shape_cast %get3A_684 : vector<1x16xf32> to vector<16xf32>
        %add3A_686 = arith.addf %add3A_658, %get3A_685 : vector<16xf32>
        %add3A_687 = arith.constant 17 : i32
        %add3A_688 = arith.addi %mul3A_216, %add3A_687 : i32
        %get3A_689 = arith.index_cast %add3A_688 : i32 to index
        %get3A_690 = arith.constant 16 : index
        %get3A_691 = tpu.vector_load %arg11[%get3A_689, %get3A_690] {strides = array<i32>} : memref<640x64xf32, #tpu.memory_space<vmem>>, vector<1x16xf32>,
        %get3A_692 = vector.shape_cast %get3A_691 : vector<1x16xf32> to vector<16xf32>
        %add3A_693 = arith.addf %add3A_665, %get3A_692 : vector<16xf32>
        %add3A_694 = arith.constant 17 : i32
        %add3A_695 = arith.addi %mul3A_216, %add3A_694 : i32
        %get3A_696 = arith.index_cast %add3A_695 : i32 to index
        %get3A_697 = arith.constant 32 : index
        %get3A_698 = tpu.vector_load %arg11[%get3A_696, %get3A_697] {strides = array<i32>} : memref<640x64xf32, #tpu.memory_space<vmem>>, vector<1x16xf32>,
        %get3A_699 = vector.shape_cast %get3A_698 : vector<1x16xf32> to vector<16xf32>
        %add3A_700 = arith.addf %add3A_672, %get3A_699 : vector<16xf32>
        %add3A_701 = arith.constant 17 : i32
        %add3A_702 = arith.addi %mul3A_216, %add3A_701 : i32
        %get3A_703 = arith.index_cast %add3A_702 : i32 to index
        %get3A_704 = arith.constant 48 : index
        %get3A_705 = tpu.vector_load %arg11[%get3A_703, %get3A_704] {strides = array<i32>} : memref<640x64xf32, #tpu.memory_space<vmem>>, vector<1x16xf32>,
        %get3A_706 = vector.shape_cast %get3A_705 : vector<1x16xf32> to vector<16xf32>
        %add3A_707 = arith.addf %add3A_679, %get3A_706 : vector<16xf32>
        %add3A_708 = arith.constant 18 : i32
        %add3A_709 = arith.addi %mul3A_216, %add3A_708 : i32
        %get3A_710 = arith.index_cast %add3A_709 : i32 to index
        %get3A_711 = arith.constant 0 : index
        %get3A_712 = tpu.vector_load %arg11[%get3A_710, %get3A_711] {strides = array<i32>} : memref<640x64xf32, #tpu.memory_space<vmem>>, vector<1x16xf32>,
        %get3A_713 = vector.shape_cast %get3A_712 : vector<1x16xf32> to vector<16xf32>
        %add3A_714 = arith.addf %add3A_686, %get3A_713 : vector<16xf32>
        %add3A_715 = arith.constant 18 : i32
        %add3A_716 = arith.addi %mul3A_216, %add3A_715 : i32
        %get3A_717 = arith.index_cast %add3A_716 : i32 to index
        %get3A_718 = arith.constant 16 : index
        %get3A_719 = tpu.vector_load %arg11[%get3A_717, %get3A_718] {strides = array<i32>} : memref<640x64xf32, #tpu.memory_space<vmem>>, vector<1x16xf32>,
        %get3A_720 = vector.shape_cast %get3A_719 : vector<1x16xf32> to vector<16xf32>
        %add3A_721 = arith.addf %add3A_693, %get3A_720 : vector<16xf32>
        %add3A_722 = arith.constant 18 : i32
        %add3A_723 = arith.addi %mul3A_216, %add3A_722 : i32
        %get3A_724 = arith.index_cast %add3A_723 : i32 to index
        %get3A_725 = arith.constant 32 : index
        %get3A_726 = tpu.vector_load %arg11[%get3A_724, %get3A_725] {strides = array<i32>} : memref<640x64xf32, #tpu.memory_space<vmem>>, vector<1x16xf32>,
        %get3A_727 = vector.shape_cast %get3A_726 : vector<1x16xf32> to vector<16xf32>
        %add3A_728 = arith.addf %add3A_700, %get3A_727 : vector<16xf32>
        %add3A_729 = arith.constant 18 : i32
        %add3A_730 = arith.addi %mul3A_216, %add3A_729 : i32
        %get3A_731 = arith.index_cast %add3A_730 : i32 to index
        %get3A_732 = arith.constant 48 : index
        %get3A_733 = tpu.vector_load %arg11[%get3A_731, %get3A_732] {strides = array<i32>} : memref<640x64xf32, #tpu.memory_space<vmem>>, vector<1x16xf32>,
        %get3A_734 = vector.shape_cast %get3A_733 : vector<1x16xf32> to vector<16xf32>
        %add3A_735 = arith.addf %add3A_707, %get3A_734 : vector<16xf32>
        %add3A_736 = arith.constant 19 : i32
        %add3A_737 = arith.addi %mul3A_216, %add3A_736 : i32
        %get3A_738 = arith.index_cast %add3A_737 : i32 to index
        %get3A_739 = arith.constant 0 : index
        %get3A_740 = tpu.vector_load %arg11[%get3A_738, %get3A_739] {strides = array<i32>} : memref<640x64xf32, #tpu.memory_space<vmem>>, vector<1x16xf32>,
        %get3A_741 = vector.shape_cast %get3A_740 : vector<1x16xf32> to vector<16xf32>
        %add3A_742 = arith.addf %add3A_714, %get3A_741 : vector<16xf32>
        %add3A_743 = arith.constant 19 : i32
        %add3A_744 = arith.addi %mul3A_216, %add3A_743 : i32
        %get3A_745 = arith.index_cast %add3A_744 : i32 to index
        %get3A_746 = arith.constant 16 : index
        %get3A_747 = tpu.vector_load %arg11[%get3A_745, %get3A_746] {strides = array<i32>} : memref<640x64xf32, #tpu.memory_space<vmem>>, vector<1x16xf32>,
        %get3A_748 = vector.shape_cast %get3A_747 : vector<1x16xf32> to vector<16xf32>
        %add3A_749 = arith.addf %add3A_721, %get3A_748 : vector<16xf32>
        %add3A_750 = arith.constant 19 : i32
        %add3A_751 = arith.addi %mul3A_216, %add3A_750 : i32
        %get3A_752 = arith.index_cast %add3A_751 : i32 to index
        %get3A_753 = arith.constant 32 : index
        %get3A_754 = tpu.vector_load %arg11[%get3A_752, %get3A_753] {strides = array<i32>} : memref<640x64xf32, #tpu.memory_space<vmem>>, vector<1x16xf32>,
        %get3A_755 = vector.shape_cast %get3A_754 : vector<1x16xf32> to vector<16xf32>
        %add3A_756 = arith.addf %add3A_728, %get3A_755 : vector<16xf32>
        %add3A_757 = arith.constant 19 : i32
        %add3A_758 = arith.addi %mul3A_216, %add3A_757 : i32
        %get3A_759 = arith.index_cast %add3A_758 : i32 to index
        %get3A_760 = arith.constant 48 : index
        %get3A_761 = tpu.vector_load %arg11[%get3A_759, %get3A_760] {strides = array<i32>} : memref<640x64xf32, #tpu.memory_space<vmem>>, vector<1x16xf32>,
        %get3A_762 = vector.shape_cast %get3A_761 : vector<1x16xf32> to vector<16xf32>
        %add3A_763 = arith.addf %add3A_735, %get3A_762 : vector<16xf32>
        %mul3A_764 = arith.constant 5.000000e-02 : f32
        %mul3A_765 = vector.broadcast %mul3A_764 : f32 to vector<16xf32>
        %mul3A_766 = arith.mulf %add3A_742, %mul3A_765 : vector<16xf32>
        %mul3A_767 = arith.constant 5.000000e-02 : f32
        %mul3A_768 = vector.broadcast %mul3A_767 : f32 to vector<16xf32>
        %mul3A_769 = arith.mulf %add3A_749, %mul3A_768 : vector<16xf32>
        %mul3A_770 = arith.constant 5.000000e-02 : f32
        %mul3A_771 = vector.broadcast %mul3A_770 : f32 to vector<16xf32>
        %mul3A_772 = arith.mulf %add3A_756, %mul3A_771 : vector<16xf32>
        %mul3A_773 = arith.constant 5.000000e-02 : f32
        %mul3A_774 = vector.broadcast %mul3A_773 : f32 to vector<16xf32>
        %mul3A_775 = arith.mulf %add3A_763, %mul3A_774 : vector<16xf32>
        %broadcast_in_dim3A = arith.constant 0.000000e+00 : f32
        %broadcast_in_dim3A_776 = vector.broadcast %broadcast_in_dim3A : f32 to vector<16xf32>
        %broadcast_in_dim3A_777 = arith.constant 0.000000e+00 : f32
        %broadcast_in_dim3A_778 = vector.broadcast %broadcast_in_dim3A_777 : f32 to vector<16xf32>
        %eq3A = arith.constant 0 : i32
        %eq3A_779 = vector.broadcast %eq3A : i32 to vector<16xi32>
        %eq3A_780 = arith.cmpi eq, %iota3A, %eq3A_779 : vector<16xi32>
        %get3A_781 = arith.index_cast %scan3A_213 : i32 to index
        %get3A_782 = arith.constant 0 : index
        %get3A_783 = tpu.vector_load %arg13[%get3A_781, %get3A_782] {strides = array<i32>} : memref<32x64xf32, #tpu.memory_space<vmem>>, vector<1x16xf32>,
        %get3A_784 = vector.shape_cast %get3A_783 : vector<1x16xf32> to vector<16xf32>
        %mul3A_785 = arith.mulf %mul3A_766, %get3A_784 : vector<16xf32>
        %get3A_786 = arith.index_cast %scan3A_213 : i32 to index
        %get3A_787 = arith.constant 16 : index
        %get3A_788 = tpu.vector_load %arg13[%get3A_786, %get3A_787] {strides = array<i32>} : memref<32x64xf32, #tpu.memory_space<vmem>>, vector<1x16xf32>,
        %get3A_789 = vector.shape_cast %get3A_788 : vector<1x16xf32> to vector<16xf32>
        %mul3A_790 = arith.mulf %mul3A_769, %get3A_789 : vector<16xf32>
        %add3A_791 = arith.addf %mul3A_785, %mul3A_790 : vector<16xf32>
        %get3A_792 = arith.index_cast %scan3A_213 : i32 to index
        %get3A_793 = arith.constant 32 : index
        %get3A_794 = tpu.vector_load %arg13[%get3A_792, %get3A_793] {strides = array<i32>} : memref<32x64xf32, #tpu.memory_space<vmem>>, vector<1x16xf32>,
        %get3A_795 = vector.shape_cast %get3A_794 : vector<1x16xf32> to vector<16xf32>
        %mul3A_796 = arith.mulf %mul3A_772, %get3A_795 : vector<16xf32>
        %add3A_797 = arith.addf %add3A_791, %mul3A_796 : vector<16xf32>
        %get3A_798 = arith.index_cast %scan3A_213 : i32 to index
        %get3A_799 = arith.constant 48 : index
        %get3A_800 = tpu.vector_load %arg13[%get3A_798, %get3A_799] {strides = array<i32>} : memref<32x64xf32, #tpu.memory_space<vmem>>, vector<1x16xf32>,
        %get3A_801 = vector.shape_cast %get3A_800 : vector<1x16xf32> to vector<16xf32>
        %mul3A_802 = arith.mulf %mul3A_775, %get3A_801 : vector<16xf32>
        %add3A_803 = arith.addf %add3A_797, %mul3A_802 : vector<16xf32>
        %broadcast_in_dim3A_804 = vector.shape_cast %and3A_186 : vector<16xi32> to vector<16x1xi32>
        %gather3A = vector.shape_cast %broadcast_in_dim3A_804 : vector<16x1xi32> to vector<16xi32>
        %gather3A_805 = tpu.dynamic_gather %add3A_803[%gather3A] in [0] : vector<16xf32>, vector<16xi32> -> vector<16xf32>
        %add3A_806 = arith.addf %add3A_803, %gather3A_805 : vector<16xf32>
        %broadcast_in_dim3A_807 = vector.shape_cast %and3A_192 : vector<16xi32> to vector<16x1xi32>
        %gather3A_808 = vector.shape_cast %broadcast_in_dim3A_807 : vector<16x1xi32> to vector<16xi32>
        %gather3A_809 = tpu.dynamic_gather %add3A_806[%gather3A_808] in [0] : vector<16xf32>, vector<16xi32> -> vector<16xf32>
        %add3A_810 = arith.addf %add3A_806, %gather3A_809 : vector<16xf32>
        %broadcast_in_dim3A_811 = vector.shape_cast %and3A_198 : vector<16xi32> to vector<16x1xi32>
        %gather3A_812 = vector.shape_cast %broadcast_in_dim3A_811 : vector<16x1xi32> to vector<16xi32>
        %gather3A_813 = tpu.dynamic_gather %add3A_810[%gather3A_812] in [0] : vector<16xf32>, vector<16xi32> -> vector<16xf32>
        %add3A_814 = arith.addf %add3A_810, %gather3A_813 : vector<16xf32>
        %broadcast_in_dim3A_815 = vector.shape_cast %and3A_204 : vector<16xi32> to vector<16x1xi32>
        %gather3A_816 = vector.shape_cast %broadcast_in_dim3A_815 : vector<16x1xi32> to vector<16xi32>
        %gather3A_817 = tpu.dynamic_gather %add3A_814[%gather3A_816] in [0] : vector<16xf32>, vector<16xi32> -> vector<16xf32>
        %add3A_818 = arith.addf %add3A_814, %gather3A_817 : vector<16xf32>
        %select_n3A = arith.select %eq3A_780, %add3A_818, %broadcast_in_dim3A_776 : vector<16xi1>, vector<16xf32>
        %mul3A_819 = arith.constant 20 : i32
        %mul3A_820 = arith.muli %scan3A_213, %mul3A_819 : i32
        %add3A_821 = arith.constant 0 : i32
        %add3A_822 = arith.addi %mul3A_820, %add3A_821 : i32
        %get3A_823 = arith.index_cast %add3A_822 : i32 to index
        %get3A_824 = arith.constant 0 : index
        %get3A_825 = tpu.vector_load %arg12[%get3A_823, %get3A_824] {strides = array<i32>} : memref<640x64xf32, #tpu.memory_space<vmem>>, vector<1x16xf32>,
        %get3A_826 = vector.shape_cast %get3A_825 : vector<1x16xf32> to vector<16xf32>
        %mul3A_827 = arith.mulf %mul3A_766, %get3A_826 : vector<16xf32>
        %get3A_828 = arith.index_cast %add3A_822 : i32 to index
        %get3A_829 = arith.constant 16 : index
        %get3A_830 = tpu.vector_load %arg12[%get3A_828, %get3A_829] {strides = array<i32>} : memref<640x64xf32, #tpu.memory_space<vmem>>, vector<1x16xf32>,
        %get3A_831 = vector.shape_cast %get3A_830 : vector<1x16xf32> to vector<16xf32>
        %mul3A_832 = arith.mulf %mul3A_769, %get3A_831 : vector<16xf32>
        %add3A_833 = arith.addf %mul3A_827, %mul3A_832 : vector<16xf32>
        %get3A_834 = arith.index_cast %add3A_822 : i32 to index
        %get3A_835 = arith.constant 32 : index
        %get3A_836 = tpu.vector_load %arg12[%get3A_834, %get3A_835] {strides = array<i32>} : memref<640x64xf32, #tpu.memory_space<vmem>>, vector<1x16xf32>,
        %get3A_837 = vector.shape_cast %get3A_836 : vector<1x16xf32> to vector<16xf32>
        %mul3A_838 = arith.mulf %mul3A_772, %get3A_837 : vector<16xf32>
        %add3A_839 = arith.addf %add3A_833, %mul3A_838 : vector<16xf32>
        %get3A_840 = arith.index_cast %add3A_822 : i32 to index
        %get3A_841 = arith.constant 48 : index
        %get3A_842 = tpu.vector_load %arg12[%get3A_840, %get3A_841] {strides = array<i32>} : memref<640x64xf32, #tpu.memory_space<vmem>>, vector<1x16xf32>,
        %get3A_843 = vector.shape_cast %get3A_842 : vector<1x16xf32> to vector<16xf32>
        %mul3A_844 = arith.mulf %mul3A_775, %get3A_843 : vector<16xf32>
        %add3A_845 = arith.addf %add3A_839, %mul3A_844 : vector<16xf32>
        %broadcast_in_dim3A_846 = vector.shape_cast %and3A_186 : vector<16xi32> to vector<16x1xi32>
        %gather3A_847 = vector.shape_cast %broadcast_in_dim3A_846 : vector<16x1xi32> to vector<16xi32>
        %gather3A_848 = tpu.dynamic_gather %add3A_845[%gather3A_847] in [0] : vector<16xf32>, vector<16xi32> -> vector<16xf32>
        %add3A_849 = arith.addf %add3A_845, %gather3A_848 : vector<16xf32>
        %broadcast_in_dim3A_850 = vector.shape_cast %and3A_192 : vector<16xi32> to vector<16x1xi32>
        %gather3A_851 = vector.shape_cast %broadcast_in_dim3A_850 : vector<16x1xi32> to vector<16xi32>
        %gather3A_852 = tpu.dynamic_gather %add3A_849[%gather3A_851] in [0] : vector<16xf32>, vector<16xi32> -> vector<16xf32>
        %add3A_853 = arith.addf %add3A_849, %gather3A_852 : vector<16xf32>
        %broadcast_in_dim3A_854 = vector.shape_cast %and3A_198 : vector<16xi32> to vector<16x1xi32>
        %gather3A_855 = vector.shape_cast %broadcast_in_dim3A_854 : vector<16x1xi32> to vector<16xi32>
        %gather3A_856 = tpu.dynamic_gather %add3A_853[%gather3A_855] in [0] : vector<16xf32>, vector<16xi32> -> vector<16xf32>
        %add3A_857 = arith.addf %add3A_853, %gather3A_856 : vector<16xf32>
        %broadcast_in_dim3A_858 = vector.shape_cast %and3A_204 : vector<16xi32> to vector<16x1xi32>
        %gather3A_859 = vector.shape_cast %broadcast_in_dim3A_858 : vector<16x1xi32> to vector<16xi32>
        %gather3A_860 = tpu.dynamic_gather %add3A_857[%gather3A_859] in [0] : vector<16xf32>, vector<16xi32> -> vector<16xf32>
        %add3A_861 = arith.addf %add3A_857, %gather3A_860 : vector<16xf32>
        %eq3A_862 = arith.constant 1 : i32
        %eq3A_863 = vector.broadcast %eq3A_862 : i32 to vector<16xi32>
        %eq3A_864 = arith.cmpi eq, %iota3A, %eq3A_863 : vector<16xi32>
        %select_n3A_865 = arith.select %eq3A_864, %add3A_861, %select_n3A : vector<16xi1>, vector<16xf32>
        %mul3A_866 = arith.constant 20 : i32
        %mul3A_867 = arith.muli %scan3A_213, %mul3A_866 : i32
        %add3A_868 = arith.constant 1 : i32
        %add3A_869 = arith.addi %mul3A_867, %add3A_868 : i32
        %get3A_870 = arith.index_cast %add3A_869 : i32 to index
        %get3A_871 = arith.constant 0 : index
        %get3A_872 = tpu.vector_load %arg12[%get3A_870, %get3A_871] {strides = array<i32>} : memref<640x64xf32, #tpu.memory_space<vmem>>, vector<1x16xf32>,
        %get3A_873 = vector.shape_cast %get3A_872 : vector<1x16xf32> to vector<16xf32>
        %mul3A_874 = arith.mulf %mul3A_766, %get3A_873 : vector<16xf32>
        %get3A_875 = arith.index_cast %add3A_869 : i32 to index
        %get3A_876 = arith.constant 16 : index
        %get3A_877 = tpu.vector_load %arg12[%get3A_875, %get3A_876] {strides = array<i32>} : memref<640x64xf32, #tpu.memory_space<vmem>>, vector<1x16xf32>,
        %get3A_878 = vector.shape_cast %get3A_877 : vector<1x16xf32> to vector<16xf32>
        %mul3A_879 = arith.mulf %mul3A_769, %get3A_878 : vector<16xf32>
        %add3A_880 = arith.addf %mul3A_874, %mul3A_879 : vector<16xf32>
        %get3A_881 = arith.index_cast %add3A_869 : i32 to index
        %get3A_882 = arith.constant 32 : index
        %get3A_883 = tpu.vector_load %arg12[%get3A_881, %get3A_882] {strides = array<i32>} : memref<640x64xf32, #tpu.memory_space<vmem>>, vector<1x16xf32>,
        %get3A_884 = vector.shape_cast %get3A_883 : vector<1x16xf32> to vector<16xf32>
        %mul3A_885 = arith.mulf %mul3A_772, %get3A_884 : vector<16xf32>
        %add3A_886 = arith.addf %add3A_880, %mul3A_885 : vector<16xf32>
        %get3A_887 = arith.index_cast %add3A_869 : i32 to index
        %get3A_888 = arith.constant 48 : index
        %get3A_889 = tpu.vector_load %arg12[%get3A_887, %get3A_888] {strides = array<i32>} : memref<640x64xf32, #tpu.memory_space<vmem>>, vector<1x16xf32>,
        %get3A_890 = vector.shape_cast %get3A_889 : vector<1x16xf32> to vector<16xf32>
        %mul3A_891 = arith.mulf %mul3A_775, %get3A_890 : vector<16xf32>
        %add3A_892 = arith.addf %add3A_886, %mul3A_891 : vector<16xf32>
        %broadcast_in_dim3A_893 = vector.shape_cast %and3A_186 : vector<16xi32> to vector<16x1xi32>
        %gather3A_894 = vector.shape_cast %broadcast_in_dim3A_893 : vector<16x1xi32> to vector<16xi32>
        %gather3A_895 = tpu.dynamic_gather %add3A_892[%gather3A_894] in [0] : vector<16xf32>, vector<16xi32> -> vector<16xf32>
        %add3A_896 = arith.addf %add3A_892, %gather3A_895 : vector<16xf32>
        %broadcast_in_dim3A_897 = vector.shape_cast %and3A_192 : vector<16xi32> to vector<16x1xi32>
        %gather3A_898 = vector.shape_cast %broadcast_in_dim3A_897 : vector<16x1xi32> to vector<16xi32>
        %gather3A_899 = tpu.dynamic_gather %add3A_896[%gather3A_898] in [0] : vector<16xf32>, vector<16xi32> -> vector<16xf32>
        %add3A_900 = arith.addf %add3A_896, %gather3A_899 : vector<16xf32>
        %broadcast_in_dim3A_901 = vector.shape_cast %and3A_198 : vector<16xi32> to vector<16x1xi32>
        %gather3A_902 = vector.shape_cast %broadcast_in_dim3A_901 : vector<16x1xi32> to vector<16xi32>
        %gather3A_903 = tpu.dynamic_gather %add3A_900[%gather3A_902] in [0] : vector<16xf32>, vector<16xi32> -> vector<16xf32>
        %add3A_904 = arith.addf %add3A_900, %gather3A_903 : vector<16xf32>
        %broadcast_in_dim3A_905 = vector.shape_cast %and3A_204 : vector<16xi32> to vector<16x1xi32>
        %gather3A_906 = vector.shape_cast %broadcast_in_dim3A_905 : vector<16x1xi32> to vector<16xi32>
        %gather3A_907 = tpu.dynamic_gather %add3A_904[%gather3A_906] in [0] : vector<16xf32>, vector<16xi32> -> vector<16xf32>
        %add3A_908 = arith.addf %add3A_904, %gather3A_907 : vector<16xf32>
        %eq3A_909 = arith.constant 2 : i32
        %eq3A_910 = vector.broadcast %eq3A_909 : i32 to vector<16xi32>
        %eq3A_911 = arith.cmpi eq, %iota3A, %eq3A_910 : vector<16xi32>
        %select_n3A_912 = arith.select %eq3A_911, %add3A_908, %select_n3A_865 : vector<16xi1>, vector<16xf32>
        %mul3A_913 = arith.constant 20 : i32
        %mul3A_914 = arith.muli %scan3A_213, %mul3A_913 : i32
        %add3A_915 = arith.constant 2 : i32
        %add3A_916 = arith.addi %mul3A_914, %add3A_915 : i32
        %get3A_917 = arith.index_cast %add3A_916 : i32 to index
        %get3A_918 = arith.constant 0 : index
        %get3A_919 = tpu.vector_load %arg12[%get3A_917, %get3A_918] {strides = array<i32>} : memref<640x64xf32, #tpu.memory_space<vmem>>, vector<1x16xf32>,
        %get3A_920 = vector.shape_cast %get3A_919 : vector<1x16xf32> to vector<16xf32>
        %mul3A_921 = arith.mulf %mul3A_766, %get3A_920 : vector<16xf32>
        %get3A_922 = arith.index_cast %add3A_916 : i32 to index
        %get3A_923 = arith.constant 16 : index
        %get3A_924 = tpu.vector_load %arg12[%get3A_922, %get3A_923] {strides = array<i32>} : memref<640x64xf32, #tpu.memory_space<vmem>>, vector<1x16xf32>,
        %get3A_925 = vector.shape_cast %get3A_924 : vector<1x16xf32> to vector<16xf32>
        %mul3A_926 = arith.mulf %mul3A_769, %get3A_925 : vector<16xf32>
        %add3A_927 = arith.addf %mul3A_921, %mul3A_926 : vector<16xf32>
        %get3A_928 = arith.index_cast %add3A_916 : i32 to index
        %get3A_929 = arith.constant 32 : index
        %get3A_930 = tpu.vector_load %arg12[%get3A_928, %get3A_929] {strides = array<i32>} : memref<640x64xf32, #tpu.memory_space<vmem>>, vector<1x16xf32>,
        %get3A_931 = vector.shape_cast %get3A_930 : vector<1x16xf32> to vector<16xf32>
        %mul3A_932 = arith.mulf %mul3A_772, %get3A_931 : vector<16xf32>
        %add3A_933 = arith.addf %add3A_927, %mul3A_932 : vector<16xf32>
        %get3A_934 = arith.index_cast %add3A_916 : i32 to index
        %get3A_935 = arith.constant 48 : index
        %get3A_936 = tpu.vector_load %arg12[%get3A_934, %get3A_935] {strides = array<i32>} : memref<640x64xf32, #tpu.memory_space<vmem>>, vector<1x16xf32>,
        %get3A_937 = vector.shape_cast %get3A_936 : vector<1x16xf32> to vector<16xf32>
        %mul3A_938 = arith.mulf %mul3A_775, %get3A_937 : vector<16xf32>
        %add3A_939 = arith.addf %add3A_933, %mul3A_938 : vector<16xf32>
        %broadcast_in_dim3A_940 = vector.shape_cast %and3A_186 : vector<16xi32> to vector<16x1xi32>
        %gather3A_941 = vector.shape_cast %broadcast_in_dim3A_940 : vector<16x1xi32> to vector<16xi32>
        %gather3A_942 = tpu.dynamic_gather %add3A_939[%gather3A_941] in [0] : vector<16xf32>, vector<16xi32> -> vector<16xf32>
        %add3A_943 = arith.addf %add3A_939, %gather3A_942 : vector<16xf32>
        %broadcast_in_dim3A_944 = vector.shape_cast %and3A_192 : vector<16xi32> to vector<16x1xi32>
        %gather3A_945 = vector.shape_cast %broadcast_in_dim3A_944 : vector<16x1xi32> to vector<16xi32>
        %gather3A_946 = tpu.dynamic_gather %add3A_943[%gather3A_945] in [0] : vector<16xf32>, vector<16xi32> -> vector<16xf32>
        %add3A_947 = arith.addf %add3A_943, %gather3A_946 : vector<16xf32>
        %broadcast_in_dim3A_948 = vector.shape_cast %and3A_198 : vector<16xi32> to vector<16x1xi32>
        %gather3A_949 = vector.shape_cast %broadcast_in_dim3A_948 : vector<16x1xi32> to vector<16xi32>
        %gather3A_950 = tpu.dynamic_gather %add3A_947[%gather3A_949] in [0] : vector<16xf32>, vector<16xi32> -> vector<16xf32>
        %add3A_951 = arith.addf %add3A_947, %gather3A_950 : vector<16xf32>
        %broadcast_in_dim3A_952 = vector.shape_cast %and3A_204 : vector<16xi32> to vector<16x1xi32>
        %gather3A_953 = vector.shape_cast %broadcast_in_dim3A_952 : vector<16x1xi32> to vector<16xi32>
        %gather3A_954 = tpu.dynamic_gather %add3A_951[%gather3A_953] in [0] : vector<16xf32>, vector<16xi32> -> vector<16xf32>
        %add3A_955 = arith.addf %add3A_951, %gather3A_954 : vector<16xf32>
        %eq3A_956 = arith.constant 3 : i32
        %eq3A_957 = vector.broadcast %eq3A_956 : i32 to vector<16xi32>
        %eq3A_958 = arith.cmpi eq, %iota3A, %eq3A_957 : vector<16xi32>
        %select_n3A_959 = arith.select %eq3A_958, %add3A_955, %select_n3A_912 : vector<16xi1>, vector<16xf32>
        %mul3A_960 = arith.constant 20 : i32
        %mul3A_961 = arith.muli %scan3A_213, %mul3A_960 : i32
        %add3A_962 = arith.constant 3 : i32
        %add3A_963 = arith.addi %mul3A_961, %add3A_962 : i32
        %get3A_964 = arith.index_cast %add3A_963 : i32 to index
        %get3A_965 = arith.constant 0 : index
        %get3A_966 = tpu.vector_load %arg12[%get3A_964, %get3A_965] {strides = array<i32>} : memref<640x64xf32, #tpu.memory_space<vmem>>, vector<1x16xf32>,
        %get3A_967 = vector.shape_cast %get3A_966 : vector<1x16xf32> to vector<16xf32>
        %mul3A_968 = arith.mulf %mul3A_766, %get3A_967 : vector<16xf32>
        %get3A_969 = arith.index_cast %add3A_963 : i32 to index
        %get3A_970 = arith.constant 16 : index
        %get3A_971 = tpu.vector_load %arg12[%get3A_969, %get3A_970] {strides = array<i32>} : memref<640x64xf32, #tpu.memory_space<vmem>>, vector<1x16xf32>,
        %get3A_972 = vector.shape_cast %get3A_971 : vector<1x16xf32> to vector<16xf32>
        %mul3A_973 = arith.mulf %mul3A_769, %get3A_972 : vector<16xf32>
        %add3A_974 = arith.addf %mul3A_968, %mul3A_973 : vector<16xf32>
        %get3A_975 = arith.index_cast %add3A_963 : i32 to index
        %get3A_976 = arith.constant 32 : index
        %get3A_977 = tpu.vector_load %arg12[%get3A_975, %get3A_976] {strides = array<i32>} : memref<640x64xf32, #tpu.memory_space<vmem>>, vector<1x16xf32>,
        %get3A_978 = vector.shape_cast %get3A_977 : vector<1x16xf32> to vector<16xf32>
        %mul3A_979 = arith.mulf %mul3A_772, %get3A_978 : vector<16xf32>
        %add3A_980 = arith.addf %add3A_974, %mul3A_979 : vector<16xf32>
        %get3A_981 = arith.index_cast %add3A_963 : i32 to index
        %get3A_982 = arith.constant 48 : index
        %get3A_983 = tpu.vector_load %arg12[%get3A_981, %get3A_982] {strides = array<i32>} : memref<640x64xf32, #tpu.memory_space<vmem>>, vector<1x16xf32>,
        %get3A_984 = vector.shape_cast %get3A_983 : vector<1x16xf32> to vector<16xf32>
        %mul3A_985 = arith.mulf %mul3A_775, %get3A_984 : vector<16xf32>
        %add3A_986 = arith.addf %add3A_980, %mul3A_985 : vector<16xf32>
        %broadcast_in_dim3A_987 = vector.shape_cast %and3A_186 : vector<16xi32> to vector<16x1xi32>
        %gather3A_988 = vector.shape_cast %broadcast_in_dim3A_987 : vector<16x1xi32> to vector<16xi32>
        %gather3A_989 = tpu.dynamic_gather %add3A_986[%gather3A_988] in [0] : vector<16xf32>, vector<16xi32> -> vector<16xf32>
        %add3A_990 = arith.addf %add3A_986, %gather3A_989 : vector<16xf32>
        %broadcast_in_dim3A_991 = vector.shape_cast %and3A_192 : vector<16xi32> to vector<16x1xi32>
        %gather3A_992 = vector.shape_cast %broadcast_in_dim3A_991 : vector<16x1xi32> to vector<16xi32>
        %gather3A_993 = tpu.dynamic_gather %add3A_990[%gather3A_992] in [0] : vector<16xf32>, vector<16xi32> -> vector<16xf32>
        %add3A_994 = arith.addf %add3A_990, %gather3A_993 : vector<16xf32>
        %broadcast_in_dim3A_995 = vector.shape_cast %and3A_198 : vector<16xi32> to vector<16x1xi32>
        %gather3A_996 = vector.shape_cast %broadcast_in_dim3A_995 : vector<16x1xi32> to vector<16xi32>
        %gather3A_997 = tpu.dynamic_gather %add3A_994[%gather3A_996] in [0] : vector<16xf32>, vector<16xi32> -> vector<16xf32>
        %add3A_998 = arith.addf %add3A_994, %gather3A_997 : vector<16xf32>
        %broadcast_in_dim3A_999 = vector.shape_cast %and3A_204 : vector<16xi32> to vector<16x1xi32>
        %gather3A_1000 = vector.shape_cast %broadcast_in_dim3A_999 : vector<16x1xi32> to vector<16xi32>
        %gather3A_1001 = tpu.dynamic_gather %add3A_998[%gather3A_1000] in [0] : vector<16xf32>, vector<16xi32> -> vector<16xf32>
        %add3A_1002 = arith.addf %add3A_998, %gather3A_1001 : vector<16xf32>
        %eq3A_1003 = arith.constant 4 : i32
        %eq3A_1004 = vector.broadcast %eq3A_1003 : i32 to vector<16xi32>
        %eq3A_1005 = arith.cmpi eq, %iota3A, %eq3A_1004 : vector<16xi32>
        %select_n3A_1006 = arith.select %eq3A_1005, %add3A_1002, %select_n3A_959 : vector<16xi1>, vector<16xf32>
        %mul3A_1007 = arith.constant 20 : i32
        %mul3A_1008 = arith.muli %scan3A_213, %mul3A_1007 : i32
        %add3A_1009 = arith.constant 4 : i32
        %add3A_1010 = arith.addi %mul3A_1008, %add3A_1009 : i32
        %get3A_1011 = arith.index_cast %add3A_1010 : i32 to index
        %get3A_1012 = arith.constant 0 : index
        %get3A_1013 = tpu.vector_load %arg12[%get3A_1011, %get3A_1012] {strides = array<i32>} : memref<640x64xf32, #tpu.memory_space<vmem>>, vector<1x16xf32>,
        %get3A_1014 = vector.shape_cast %get3A_1013 : vector<1x16xf32> to vector<16xf32>
        %mul3A_1015 = arith.mulf %mul3A_766, %get3A_1014 : vector<16xf32>
        %get3A_1016 = arith.index_cast %add3A_1010 : i32 to index
        %get3A_1017 = arith.constant 16 : index
        %get3A_1018 = tpu.vector_load %arg12[%get3A_1016, %get3A_1017] {strides = array<i32>} : memref<640x64xf32, #tpu.memory_space<vmem>>, vector<1x16xf32>,
        %get3A_1019 = vector.shape_cast %get3A_1018 : vector<1x16xf32> to vector<16xf32>
        %mul3A_1020 = arith.mulf %mul3A_769, %get3A_1019 : vector<16xf32>
        %add3A_1021 = arith.addf %mul3A_1015, %mul3A_1020 : vector<16xf32>
        %get3A_1022 = arith.index_cast %add3A_1010 : i32 to index
        %get3A_1023 = arith.constant 32 : index
        %get3A_1024 = tpu.vector_load %arg12[%get3A_1022, %get3A_1023] {strides = array<i32>} : memref<640x64xf32, #tpu.memory_space<vmem>>, vector<1x16xf32>,
        %get3A_1025 = vector.shape_cast %get3A_1024 : vector<1x16xf32> to vector<16xf32>
        %mul3A_1026 = arith.mulf %mul3A_772, %get3A_1025 : vector<16xf32>
        %add3A_1027 = arith.addf %add3A_1021, %mul3A_1026 : vector<16xf32>
        %get3A_1028 = arith.index_cast %add3A_1010 : i32 to index
        %get3A_1029 = arith.constant 48 : index
        %get3A_1030 = tpu.vector_load %arg12[%get3A_1028, %get3A_1029] {strides = array<i32>} : memref<640x64xf32, #tpu.memory_space<vmem>>, vector<1x16xf32>,
        %get3A_1031 = vector.shape_cast %get3A_1030 : vector<1x16xf32> to vector<16xf32>
        %mul3A_1032 = arith.mulf %mul3A_775, %get3A_1031 : vector<16xf32>
        %add3A_1033 = arith.addf %add3A_1027, %mul3A_1032 : vector<16xf32>
        %broadcast_in_dim3A_1034 = vector.shape_cast %and3A_186 : vector<16xi32> to vector<16x1xi32>
        %gather3A_1035 = vector.shape_cast %broadcast_in_dim3A_1034 : vector<16x1xi32> to vector<16xi32>
        %gather3A_1036 = tpu.dynamic_gather %add3A_1033[%gather3A_1035] in [0] : vector<16xf32>, vector<16xi32> -> vector<16xf32>
        %add3A_1037 = arith.addf %add3A_1033, %gather3A_1036 : vector<16xf32>
        %broadcast_in_dim3A_1038 = vector.shape_cast %and3A_192 : vector<16xi32> to vector<16x1xi32>
        %gather3A_1039 = vector.shape_cast %broadcast_in_dim3A_1038 : vector<16x1xi32> to vector<16xi32>
        %gather3A_1040 = tpu.dynamic_gather %add3A_1037[%gather3A_1039] in [0] : vector<16xf32>, vector<16xi32> -> vector<16xf32>
        %add3A_1041 = arith.addf %add3A_1037, %gather3A_1040 : vector<16xf32>
        %broadcast_in_dim3A_1042 = vector.shape_cast %and3A_198 : vector<16xi32> to vector<16x1xi32>
        %gather3A_1043 = vector.shape_cast %broadcast_in_dim3A_1042 : vector<16x1xi32> to vector<16xi32>
        %gather3A_1044 = tpu.dynamic_gather %add3A_1041[%gather3A_1043] in [0] : vector<16xf32>, vector<16xi32> -> vector<16xf32>
        %add3A_1045 = arith.addf %add3A_1041, %gather3A_1044 : vector<16xf32>
        %broadcast_in_dim3A_1046 = vector.shape_cast %and3A_204 : vector<16xi32> to vector<16x1xi32>
        %gather3A_1047 = vector.shape_cast %broadcast_in_dim3A_1046 : vector<16x1xi32> to vector<16xi32>
        %gather3A_1048 = tpu.dynamic_gather %add3A_1045[%gather3A_1047] in [0] : vector<16xf32>, vector<16xi32> -> vector<16xf32>
        %add3A_1049 = arith.addf %add3A_1045, %gather3A_1048 : vector<16xf32>
        %eq3A_1050 = arith.constant 5 : i32
        %eq3A_1051 = vector.broadcast %eq3A_1050 : i32 to vector<16xi32>
        %eq3A_1052 = arith.cmpi eq, %iota3A, %eq3A_1051 : vector<16xi32>
        %select_n3A_1053 = arith.select %eq3A_1052, %add3A_1049, %select_n3A_1006 : vector<16xi1>, vector<16xf32>
        %mul3A_1054 = arith.constant 20 : i32
        %mul3A_1055 = arith.muli %scan3A_213, %mul3A_1054 : i32
        %add3A_1056 = arith.constant 5 : i32
        %add3A_1057 = arith.addi %mul3A_1055, %add3A_1056 : i32
        %get3A_1058 = arith.index_cast %add3A_1057 : i32 to index
        %get3A_1059 = arith.constant 0 : index
        %get3A_1060 = tpu.vector_load %arg12[%get3A_1058, %get3A_1059] {strides = array<i32>} : memref<640x64xf32, #tpu.memory_space<vmem>>, vector<1x16xf32>,
        %get3A_1061 = vector.shape_cast %get3A_1060 : vector<1x16xf32> to vector<16xf32>
        %mul3A_1062 = arith.mulf %mul3A_766, %get3A_1061 : vector<16xf32>
        %get3A_1063 = arith.index_cast %add3A_1057 : i32 to index
        %get3A_1064 = arith.constant 16 : index
        %get3A_1065 = tpu.vector_load %arg12[%get3A_1063, %get3A_1064] {strides = array<i32>} : memref<640x64xf32, #tpu.memory_space<vmem>>, vector<1x16xf32>,
        %get3A_1066 = vector.shape_cast %get3A_1065 : vector<1x16xf32> to vector<16xf32>
        %mul3A_1067 = arith.mulf %mul3A_769, %get3A_1066 : vector<16xf32>
        %add3A_1068 = arith.addf %mul3A_1062, %mul3A_1067 : vector<16xf32>
        %get3A_1069 = arith.index_cast %add3A_1057 : i32 to index
        %get3A_1070 = arith.constant 32 : index
        %get3A_1071 = tpu.vector_load %arg12[%get3A_1069, %get3A_1070] {strides = array<i32>} : memref<640x64xf32, #tpu.memory_space<vmem>>, vector<1x16xf32>,
        %get3A_1072 = vector.shape_cast %get3A_1071 : vector<1x16xf32> to vector<16xf32>
        %mul3A_1073 = arith.mulf %mul3A_772, %get3A_1072 : vector<16xf32>
        %add3A_1074 = arith.addf %add3A_1068, %mul3A_1073 : vector<16xf32>
        %get3A_1075 = arith.index_cast %add3A_1057 : i32 to index
        %get3A_1076 = arith.constant 48 : index
        %get3A_1077 = tpu.vector_load %arg12[%get3A_1075, %get3A_1076] {strides = array<i32>} : memref<640x64xf32, #tpu.memory_space<vmem>>, vector<1x16xf32>,
        %get3A_1078 = vector.shape_cast %get3A_1077 : vector<1x16xf32> to vector<16xf32>
        %mul3A_1079 = arith.mulf %mul3A_775, %get3A_1078 : vector<16xf32>
        %add3A_1080 = arith.addf %add3A_1074, %mul3A_1079 : vector<16xf32>
        %broadcast_in_dim3A_1081 = vector.shape_cast %and3A_186 : vector<16xi32> to vector<16x1xi32>
        %gather3A_1082 = vector.shape_cast %broadcast_in_dim3A_1081 : vector<16x1xi32> to vector<16xi32>
        %gather3A_1083 = tpu.dynamic_gather %add3A_1080[%gather3A_1082] in [0] : vector<16xf32>, vector<16xi32> -> vector<16xf32>
        %add3A_1084 = arith.addf %add3A_1080, %gather3A_1083 : vector<16xf32>
        %broadcast_in_dim3A_1085 = vector.shape_cast %and3A_192 : vector<16xi32> to vector<16x1xi32>
        %gather3A_1086 = vector.shape_cast %broadcast_in_dim3A_1085 : vector<16x1xi32> to vector<16xi32>
        %gather3A_1087 = tpu.dynamic_gather %add3A_1084[%gather3A_1086] in [0] : vector<16xf32>, vector<16xi32> -> vector<16xf32>
        %add3A_1088 = arith.addf %add3A_1084, %gather3A_1087 : vector<16xf32>
        %broadcast_in_dim3A_1089 = vector.shape_cast %and3A_198 : vector<16xi32> to vector<16x1xi32>
        %gather3A_1090 = vector.shape_cast %broadcast_in_dim3A_1089 : vector<16x1xi32> to vector<16xi32>
        %gather3A_1091 = tpu.dynamic_gather %add3A_1088[%gather3A_1090] in [0] : vector<16xf32>, vector<16xi32> -> vector<16xf32>
        %add3A_1092 = arith.addf %add3A_1088, %gather3A_1091 : vector<16xf32>
        %broadcast_in_dim3A_1093 = vector.shape_cast %and3A_204 : vector<16xi32> to vector<16x1xi32>
        %gather3A_1094 = vector.shape_cast %broadcast_in_dim3A_1093 : vector<16x1xi32> to vector<16xi32>
        %gather3A_1095 = tpu.dynamic_gather %add3A_1092[%gather3A_1094] in [0] : vector<16xf32>, vector<16xi32> -> vector<16xf32>
        %add3A_1096 = arith.addf %add3A_1092, %gather3A_1095 : vector<16xf32>
        %eq3A_1097 = arith.constant 6 : i32
        %eq3A_1098 = vector.broadcast %eq3A_1097 : i32 to vector<16xi32>
        %eq3A_1099 = arith.cmpi eq, %iota3A, %eq3A_1098 : vector<16xi32>
        %select_n3A_1100 = arith.select %eq3A_1099, %add3A_1096, %select_n3A_1053 : vector<16xi1>, vector<16xf32>
        %mul3A_1101 = arith.constant 20 : i32
        %mul3A_1102 = arith.muli %scan3A_213, %mul3A_1101 : i32
        %add3A_1103 = arith.constant 6 : i32
        %add3A_1104 = arith.addi %mul3A_1102, %add3A_1103 : i32
        %get3A_1105 = arith.index_cast %add3A_1104 : i32 to index
        %get3A_1106 = arith.constant 0 : index
        %get3A_1107 = tpu.vector_load %arg12[%get3A_1105, %get3A_1106] {strides = array<i32>} : memref<640x64xf32, #tpu.memory_space<vmem>>, vector<1x16xf32>,
        %get3A_1108 = vector.shape_cast %get3A_1107 : vector<1x16xf32> to vector<16xf32>
        %mul3A_1109 = arith.mulf %mul3A_766, %get3A_1108 : vector<16xf32>
        %get3A_1110 = arith.index_cast %add3A_1104 : i32 to index
        %get3A_1111 = arith.constant 16 : index
        %get3A_1112 = tpu.vector_load %arg12[%get3A_1110, %get3A_1111] {strides = array<i32>} : memref<640x64xf32, #tpu.memory_space<vmem>>, vector<1x16xf32>,
        %get3A_1113 = vector.shape_cast %get3A_1112 : vector<1x16xf32> to vector<16xf32>
        %mul3A_1114 = arith.mulf %mul3A_769, %get3A_1113 : vector<16xf32>
        %add3A_1115 = arith.addf %mul3A_1109, %mul3A_1114 : vector<16xf32>
        %get3A_1116 = arith.index_cast %add3A_1104 : i32 to index
        %get3A_1117 = arith.constant 32 : index
        %get3A_1118 = tpu.vector_load %arg12[%get3A_1116, %get3A_1117] {strides = array<i32>} : memref<640x64xf32, #tpu.memory_space<vmem>>, vector<1x16xf32>,
        %get3A_1119 = vector.shape_cast %get3A_1118 : vector<1x16xf32> to vector<16xf32>
        %mul3A_1120 = arith.mulf %mul3A_772, %get3A_1119 : vector<16xf32>
        %add3A_1121 = arith.addf %add3A_1115, %mul3A_1120 : vector<16xf32>
        %get3A_1122 = arith.index_cast %add3A_1104 : i32 to index
        %get3A_1123 = arith.constant 48 : index
        %get3A_1124 = tpu.vector_load %arg12[%get3A_1122, %get3A_1123] {strides = array<i32>} : memref<640x64xf32, #tpu.memory_space<vmem>>, vector<1x16xf32>,
        %get3A_1125 = vector.shape_cast %get3A_1124 : vector<1x16xf32> to vector<16xf32>
        %mul3A_1126 = arith.mulf %mul3A_775, %get3A_1125 : vector<16xf32>
        %add3A_1127 = arith.addf %add3A_1121, %mul3A_1126 : vector<16xf32>
        %broadcast_in_dim3A_1128 = vector.shape_cast %and3A_186 : vector<16xi32> to vector<16x1xi32>
        %gather3A_1129 = vector.shape_cast %broadcast_in_dim3A_1128 : vector<16x1xi32> to vector<16xi32>
        %gather3A_1130 = tpu.dynamic_gather %add3A_1127[%gather3A_1129] in [0] : vector<16xf32>, vector<16xi32> -> vector<16xf32>
        %add3A_1131 = arith.addf %add3A_1127, %gather3A_1130 : vector<16xf32>
        %broadcast_in_dim3A_1132 = vector.shape_cast %and3A_192 : vector<16xi32> to vector<16x1xi32>
        %gather3A_1133 = vector.shape_cast %broadcast_in_dim3A_1132 : vector<16x1xi32> to vector<16xi32>
        %gather3A_1134 = tpu.dynamic_gather %add3A_1131[%gather3A_1133] in [0] : vector<16xf32>, vector<16xi32> -> vector<16xf32>
        %add3A_1135 = arith.addf %add3A_1131, %gather3A_1134 : vector<16xf32>
        %broadcast_in_dim3A_1136 = vector.shape_cast %and3A_198 : vector<16xi32> to vector<16x1xi32>
        %gather3A_1137 = vector.shape_cast %broadcast_in_dim3A_1136 : vector<16x1xi32> to vector<16xi32>
        %gather3A_1138 = tpu.dynamic_gather %add3A_1135[%gather3A_1137] in [0] : vector<16xf32>, vector<16xi32> -> vector<16xf32>
        %add3A_1139 = arith.addf %add3A_1135, %gather3A_1138 : vector<16xf32>
        %broadcast_in_dim3A_1140 = vector.shape_cast %and3A_204 : vector<16xi32> to vector<16x1xi32>
        %gather3A_1141 = vector.shape_cast %broadcast_in_dim3A_1140 : vector<16x1xi32> to vector<16xi32>
        %gather3A_1142 = tpu.dynamic_gather %add3A_1139[%gather3A_1141] in [0] : vector<16xf32>, vector<16xi32> -> vector<16xf32>
        %add3A_1143 = arith.addf %add3A_1139, %gather3A_1142 : vector<16xf32>
        %eq3A_1144 = arith.constant 7 : i32
        %eq3A_1145 = vector.broadcast %eq3A_1144 : i32 to vector<16xi32>
        %eq3A_1146 = arith.cmpi eq, %iota3A, %eq3A_1145 : vector<16xi32>
        %select_n3A_1147 = arith.select %eq3A_1146, %add3A_1143, %select_n3A_1100 : vector<16xi1>, vector<16xf32>
        %mul3A_1148 = arith.constant 20 : i32
        %mul3A_1149 = arith.muli %scan3A_213, %mul3A_1148 : i32
        %add3A_1150 = arith.constant 7 : i32
        %add3A_1151 = arith.addi %mul3A_1149, %add3A_1150 : i32
        %get3A_1152 = arith.index_cast %add3A_1151 : i32 to index
        %get3A_1153 = arith.constant 0 : index
        %get3A_1154 = tpu.vector_load %arg12[%get3A_1152, %get3A_1153] {strides = array<i32>} : memref<640x64xf32, #tpu.memory_space<vmem>>, vector<1x16xf32>,
        %get3A_1155 = vector.shape_cast %get3A_1154 : vector<1x16xf32> to vector<16xf32>
        %mul3A_1156 = arith.mulf %mul3A_766, %get3A_1155 : vector<16xf32>
        %get3A_1157 = arith.index_cast %add3A_1151 : i32 to index
        %get3A_1158 = arith.constant 16 : index
        %get3A_1159 = tpu.vector_load %arg12[%get3A_1157, %get3A_1158] {strides = array<i32>} : memref<640x64xf32, #tpu.memory_space<vmem>>, vector<1x16xf32>,
        %get3A_1160 = vector.shape_cast %get3A_1159 : vector<1x16xf32> to vector<16xf32>
        %mul3A_1161 = arith.mulf %mul3A_769, %get3A_1160 : vector<16xf32>
        %add3A_1162 = arith.addf %mul3A_1156, %mul3A_1161 : vector<16xf32>
        %get3A_1163 = arith.index_cast %add3A_1151 : i32 to index
        %get3A_1164 = arith.constant 32 : index
        %get3A_1165 = tpu.vector_load %arg12[%get3A_1163, %get3A_1164] {strides = array<i32>} : memref<640x64xf32, #tpu.memory_space<vmem>>, vector<1x16xf32>,
        %get3A_1166 = vector.shape_cast %get3A_1165 : vector<1x16xf32> to vector<16xf32>
        %mul3A_1167 = arith.mulf %mul3A_772, %get3A_1166 : vector<16xf32>
        %add3A_1168 = arith.addf %add3A_1162, %mul3A_1167 : vector<16xf32>
        %get3A_1169 = arith.index_cast %add3A_1151 : i32 to index
        %get3A_1170 = arith.constant 48 : index
        %get3A_1171 = tpu.vector_load %arg12[%get3A_1169, %get3A_1170] {strides = array<i32>} : memref<640x64xf32, #tpu.memory_space<vmem>>, vector<1x16xf32>,
        %get3A_1172 = vector.shape_cast %get3A_1171 : vector<1x16xf32> to vector<16xf32>
        %mul3A_1173 = arith.mulf %mul3A_775, %get3A_1172 : vector<16xf32>
        %add3A_1174 = arith.addf %add3A_1168, %mul3A_1173 : vector<16xf32>
        %broadcast_in_dim3A_1175 = vector.shape_cast %and3A_186 : vector<16xi32> to vector<16x1xi32>
        %gather3A_1176 = vector.shape_cast %broadcast_in_dim3A_1175 : vector<16x1xi32> to vector<16xi32>
        %gather3A_1177 = tpu.dynamic_gather %add3A_1174[%gather3A_1176] in [0] : vector<16xf32>, vector<16xi32> -> vector<16xf32>
        %add3A_1178 = arith.addf %add3A_1174, %gather3A_1177 : vector<16xf32>
        %broadcast_in_dim3A_1179 = vector.shape_cast %and3A_192 : vector<16xi32> to vector<16x1xi32>
        %gather3A_1180 = vector.shape_cast %broadcast_in_dim3A_1179 : vector<16x1xi32> to vector<16xi32>
        %gather3A_1181 = tpu.dynamic_gather %add3A_1178[%gather3A_1180] in [0] : vector<16xf32>, vector<16xi32> -> vector<16xf32>
        %add3A_1182 = arith.addf %add3A_1178, %gather3A_1181 : vector<16xf32>
        %broadcast_in_dim3A_1183 = vector.shape_cast %and3A_198 : vector<16xi32> to vector<16x1xi32>
        %gather3A_1184 = vector.shape_cast %broadcast_in_dim3A_1183 : vector<16x1xi32> to vector<16xi32>
        %gather3A_1185 = tpu.dynamic_gather %add3A_1182[%gather3A_1184] in [0] : vector<16xf32>, vector<16xi32> -> vector<16xf32>
        %add3A_1186 = arith.addf %add3A_1182, %gather3A_1185 : vector<16xf32>
        %broadcast_in_dim3A_1187 = vector.shape_cast %and3A_204 : vector<16xi32> to vector<16x1xi32>
        %gather3A_1188 = vector.shape_cast %broadcast_in_dim3A_1187 : vector<16x1xi32> to vector<16xi32>
        %gather3A_1189 = tpu.dynamic_gather %add3A_1186[%gather3A_1188] in [0] : vector<16xf32>, vector<16xi32> -> vector<16xf32>
        %add3A_1190 = arith.addf %add3A_1186, %gather3A_1189 : vector<16xf32>
        %eq3A_1191 = arith.constant 8 : i32
        %eq3A_1192 = vector.broadcast %eq3A_1191 : i32 to vector<16xi32>
        %eq3A_1193 = arith.cmpi eq, %iota3A, %eq3A_1192 : vector<16xi32>
        %select_n3A_1194 = arith.select %eq3A_1193, %add3A_1190, %select_n3A_1147 : vector<16xi1>, vector<16xf32>
        %mul3A_1195 = arith.constant 20 : i32
        %mul3A_1196 = arith.muli %scan3A_213, %mul3A_1195 : i32
        %add3A_1197 = arith.constant 8 : i32
        %add3A_1198 = arith.addi %mul3A_1196, %add3A_1197 : i32
        %get3A_1199 = arith.index_cast %add3A_1198 : i32 to index
        %get3A_1200 = arith.constant 0 : index
        %get3A_1201 = tpu.vector_load %arg12[%get3A_1199, %get3A_1200] {strides = array<i32>} : memref<640x64xf32, #tpu.memory_space<vmem>>, vector<1x16xf32>,
        %get3A_1202 = vector.shape_cast %get3A_1201 : vector<1x16xf32> to vector<16xf32>
        %mul3A_1203 = arith.mulf %mul3A_766, %get3A_1202 : vector<16xf32>
        %get3A_1204 = arith.index_cast %add3A_1198 : i32 to index
        %get3A_1205 = arith.constant 16 : index
        %get3A_1206 = tpu.vector_load %arg12[%get3A_1204, %get3A_1205] {strides = array<i32>} : memref<640x64xf32, #tpu.memory_space<vmem>>, vector<1x16xf32>,
        %get3A_1207 = vector.shape_cast %get3A_1206 : vector<1x16xf32> to vector<16xf32>
        %mul3A_1208 = arith.mulf %mul3A_769, %get3A_1207 : vector<16xf32>
        %add3A_1209 = arith.addf %mul3A_1203, %mul3A_1208 : vector<16xf32>
        %get3A_1210 = arith.index_cast %add3A_1198 : i32 to index
        %get3A_1211 = arith.constant 32 : index
        %get3A_1212 = tpu.vector_load %arg12[%get3A_1210, %get3A_1211] {strides = array<i32>} : memref<640x64xf32, #tpu.memory_space<vmem>>, vector<1x16xf32>,
        %get3A_1213 = vector.shape_cast %get3A_1212 : vector<1x16xf32> to vector<16xf32>
        %mul3A_1214 = arith.mulf %mul3A_772, %get3A_1213 : vector<16xf32>
        %add3A_1215 = arith.addf %add3A_1209, %mul3A_1214 : vector<16xf32>
        %get3A_1216 = arith.index_cast %add3A_1198 : i32 to index
        %get3A_1217 = arith.constant 48 : index
        %get3A_1218 = tpu.vector_load %arg12[%get3A_1216, %get3A_1217] {strides = array<i32>} : memref<640x64xf32, #tpu.memory_space<vmem>>, vector<1x16xf32>,
        %get3A_1219 = vector.shape_cast %get3A_1218 : vector<1x16xf32> to vector<16xf32>
        %mul3A_1220 = arith.mulf %mul3A_775, %get3A_1219 : vector<16xf32>
        %add3A_1221 = arith.addf %add3A_1215, %mul3A_1220 : vector<16xf32>
        %broadcast_in_dim3A_1222 = vector.shape_cast %and3A_186 : vector<16xi32> to vector<16x1xi32>
        %gather3A_1223 = vector.shape_cast %broadcast_in_dim3A_1222 : vector<16x1xi32> to vector<16xi32>
        %gather3A_1224 = tpu.dynamic_gather %add3A_1221[%gather3A_1223] in [0] : vector<16xf32>, vector<16xi32> -> vector<16xf32>
        %add3A_1225 = arith.addf %add3A_1221, %gather3A_1224 : vector<16xf32>
        %broadcast_in_dim3A_1226 = vector.shape_cast %and3A_192 : vector<16xi32> to vector<16x1xi32>
        %gather3A_1227 = vector.shape_cast %broadcast_in_dim3A_1226 : vector<16x1xi32> to vector<16xi32>
        %gather3A_1228 = tpu.dynamic_gather %add3A_1225[%gather3A_1227] in [0] : vector<16xf32>, vector<16xi32> -> vector<16xf32>
        %add3A_1229 = arith.addf %add3A_1225, %gather3A_1228 : vector<16xf32>
        %broadcast_in_dim3A_1230 = vector.shape_cast %and3A_198 : vector<16xi32> to vector<16x1xi32>
        %gather3A_1231 = vector.shape_cast %broadcast_in_dim3A_1230 : vector<16x1xi32> to vector<16xi32>
        %gather3A_1232 = tpu.dynamic_gather %add3A_1229[%gather3A_1231] in [0] : vector<16xf32>, vector<16xi32> -> vector<16xf32>
        %add3A_1233 = arith.addf %add3A_1229, %gather3A_1232 : vector<16xf32>
        %broadcast_in_dim3A_1234 = vector.shape_cast %and3A_204 : vector<16xi32> to vector<16x1xi32>
        %gather3A_1235 = vector.shape_cast %broadcast_in_dim3A_1234 : vector<16x1xi32> to vector<16xi32>
        %gather3A_1236 = tpu.dynamic_gather %add3A_1233[%gather3A_1235] in [0] : vector<16xf32>, vector<16xi32> -> vector<16xf32>
        %add3A_1237 = arith.addf %add3A_1233, %gather3A_1236 : vector<16xf32>
        %eq3A_1238 = arith.constant 9 : i32
        %eq3A_1239 = vector.broadcast %eq3A_1238 : i32 to vector<16xi32>
        %eq3A_1240 = arith.cmpi eq, %iota3A, %eq3A_1239 : vector<16xi32>
        %select_n3A_1241 = arith.select %eq3A_1240, %add3A_1237, %select_n3A_1194 : vector<16xi1>, vector<16xf32>
        %mul3A_1242 = arith.constant 20 : i32
        %mul3A_1243 = arith.muli %scan3A_213, %mul3A_1242 : i32
        %add3A_1244 = arith.constant 9 : i32
        %add3A_1245 = arith.addi %mul3A_1243, %add3A_1244 : i32
        %get3A_1246 = arith.index_cast %add3A_1245 : i32 to index
        %get3A_1247 = arith.constant 0 : index
        %get3A_1248 = tpu.vector_load %arg12[%get3A_1246, %get3A_1247] {strides = array<i32>} : memref<640x64xf32, #tpu.memory_space<vmem>>, vector<1x16xf32>,
        %get3A_1249 = vector.shape_cast %get3A_1248 : vector<1x16xf32> to vector<16xf32>
        %mul3A_1250 = arith.mulf %mul3A_766, %get3A_1249 : vector<16xf32>
        %get3A_1251 = arith.index_cast %add3A_1245 : i32 to index
        %get3A_1252 = arith.constant 16 : index
        %get3A_1253 = tpu.vector_load %arg12[%get3A_1251, %get3A_1252] {strides = array<i32>} : memref<640x64xf32, #tpu.memory_space<vmem>>, vector<1x16xf32>,
        %get3A_1254 = vector.shape_cast %get3A_1253 : vector<1x16xf32> to vector<16xf32>
        %mul3A_1255 = arith.mulf %mul3A_769, %get3A_1254 : vector<16xf32>
        %add3A_1256 = arith.addf %mul3A_1250, %mul3A_1255 : vector<16xf32>
        %get3A_1257 = arith.index_cast %add3A_1245 : i32 to index
        %get3A_1258 = arith.constant 32 : index
        %get3A_1259 = tpu.vector_load %arg12[%get3A_1257, %get3A_1258] {strides = array<i32>} : memref<640x64xf32, #tpu.memory_space<vmem>>, vector<1x16xf32>,
        %get3A_1260 = vector.shape_cast %get3A_1259 : vector<1x16xf32> to vector<16xf32>
        %mul3A_1261 = arith.mulf %mul3A_772, %get3A_1260 : vector<16xf32>
        %add3A_1262 = arith.addf %add3A_1256, %mul3A_1261 : vector<16xf32>
        %get3A_1263 = arith.index_cast %add3A_1245 : i32 to index
        %get3A_1264 = arith.constant 48 : index
        %get3A_1265 = tpu.vector_load %arg12[%get3A_1263, %get3A_1264] {strides = array<i32>} : memref<640x64xf32, #tpu.memory_space<vmem>>, vector<1x16xf32>,
        %get3A_1266 = vector.shape_cast %get3A_1265 : vector<1x16xf32> to vector<16xf32>
        %mul3A_1267 = arith.mulf %mul3A_775, %get3A_1266 : vector<16xf32>
        %add3A_1268 = arith.addf %add3A_1262, %mul3A_1267 : vector<16xf32>
        %broadcast_in_dim3A_1269 = vector.shape_cast %and3A_186 : vector<16xi32> to vector<16x1xi32>
        %gather3A_1270 = vector.shape_cast %broadcast_in_dim3A_1269 : vector<16x1xi32> to vector<16xi32>
        %gather3A_1271 = tpu.dynamic_gather %add3A_1268[%gather3A_1270] in [0] : vector<16xf32>, vector<16xi32> -> vector<16xf32>
        %add3A_1272 = arith.addf %add3A_1268, %gather3A_1271 : vector<16xf32>
        %broadcast_in_dim3A_1273 = vector.shape_cast %and3A_192 : vector<16xi32> to vector<16x1xi32>
        %gather3A_1274 = vector.shape_cast %broadcast_in_dim3A_1273 : vector<16x1xi32> to vector<16xi32>
        %gather3A_1275 = tpu.dynamic_gather %add3A_1272[%gather3A_1274] in [0] : vector<16xf32>, vector<16xi32> -> vector<16xf32>
        %add3A_1276 = arith.addf %add3A_1272, %gather3A_1275 : vector<16xf32>
        %broadcast_in_dim3A_1277 = vector.shape_cast %and3A_198 : vector<16xi32> to vector<16x1xi32>
        %gather3A_1278 = vector.shape_cast %broadcast_in_dim3A_1277 : vector<16x1xi32> to vector<16xi32>
        %gather3A_1279 = tpu.dynamic_gather %add3A_1276[%gather3A_1278] in [0] : vector<16xf32>, vector<16xi32> -> vector<16xf32>
        %add3A_1280 = arith.addf %add3A_1276, %gather3A_1279 : vector<16xf32>
        %broadcast_in_dim3A_1281 = vector.shape_cast %and3A_204 : vector<16xi32> to vector<16x1xi32>
        %gather3A_1282 = vector.shape_cast %broadcast_in_dim3A_1281 : vector<16x1xi32> to vector<16xi32>
        %gather3A_1283 = tpu.dynamic_gather %add3A_1280[%gather3A_1282] in [0] : vector<16xf32>, vector<16xi32> -> vector<16xf32>
        %add3A_1284 = arith.addf %add3A_1280, %gather3A_1283 : vector<16xf32>
        %eq3A_1285 = arith.constant 10 : i32
        %eq3A_1286 = vector.broadcast %eq3A_1285 : i32 to vector<16xi32>
        %eq3A_1287 = arith.cmpi eq, %iota3A, %eq3A_1286 : vector<16xi32>
        %select_n3A_1288 = arith.select %eq3A_1287, %add3A_1284, %select_n3A_1241 : vector<16xi1>, vector<16xf32>
        %mul3A_1289 = arith.constant 20 : i32
        %mul3A_1290 = arith.muli %scan3A_213, %mul3A_1289 : i32
        %add3A_1291 = arith.constant 10 : i32
        %add3A_1292 = arith.addi %mul3A_1290, %add3A_1291 : i32
        %get3A_1293 = arith.index_cast %add3A_1292 : i32 to index
        %get3A_1294 = arith.constant 0 : index
        %get3A_1295 = tpu.vector_load %arg12[%get3A_1293, %get3A_1294] {strides = array<i32>} : memref<640x64xf32, #tpu.memory_space<vmem>>, vector<1x16xf32>,
        %get3A_1296 = vector.shape_cast %get3A_1295 : vector<1x16xf32> to vector<16xf32>
        %mul3A_1297 = arith.mulf %mul3A_766, %get3A_1296 : vector<16xf32>
        %get3A_1298 = arith.index_cast %add3A_1292 : i32 to index
        %get3A_1299 = arith.constant 16 : index
        %get3A_1300 = tpu.vector_load %arg12[%get3A_1298, %get3A_1299] {strides = array<i32>} : memref<640x64xf32, #tpu.memory_space<vmem>>, vector<1x16xf32>,
        %get3A_1301 = vector.shape_cast %get3A_1300 : vector<1x16xf32> to vector<16xf32>
        %mul3A_1302 = arith.mulf %mul3A_769, %get3A_1301 : vector<16xf32>
        %add3A_1303 = arith.addf %mul3A_1297, %mul3A_1302 : vector<16xf32>
        %get3A_1304 = arith.index_cast %add3A_1292 : i32 to index
        %get3A_1305 = arith.constant 32 : index
        %get3A_1306 = tpu.vector_load %arg12[%get3A_1304, %get3A_1305] {strides = array<i32>} : memref<640x64xf32, #tpu.memory_space<vmem>>, vector<1x16xf32>,
        %get3A_1307 = vector.shape_cast %get3A_1306 : vector<1x16xf32> to vector<16xf32>
        %mul3A_1308 = arith.mulf %mul3A_772, %get3A_1307 : vector<16xf32>
        %add3A_1309 = arith.addf %add3A_1303, %mul3A_1308 : vector<16xf32>
        %get3A_1310 = arith.index_cast %add3A_1292 : i32 to index
        %get3A_1311 = arith.constant 48 : index
        %get3A_1312 = tpu.vector_load %arg12[%get3A_1310, %get3A_1311] {strides = array<i32>} : memref<640x64xf32, #tpu.memory_space<vmem>>, vector<1x16xf32>,
        %get3A_1313 = vector.shape_cast %get3A_1312 : vector<1x16xf32> to vector<16xf32>
        %mul3A_1314 = arith.mulf %mul3A_775, %get3A_1313 : vector<16xf32>
        %add3A_1315 = arith.addf %add3A_1309, %mul3A_1314 : vector<16xf32>
        %broadcast_in_dim3A_1316 = vector.shape_cast %and3A_186 : vector<16xi32> to vector<16x1xi32>
        %gather3A_1317 = vector.shape_cast %broadcast_in_dim3A_1316 : vector<16x1xi32> to vector<16xi32>
        %gather3A_1318 = tpu.dynamic_gather %add3A_1315[%gather3A_1317] in [0] : vector<16xf32>, vector<16xi32> -> vector<16xf32>
        %add3A_1319 = arith.addf %add3A_1315, %gather3A_1318 : vector<16xf32>
        %broadcast_in_dim3A_1320 = vector.shape_cast %and3A_192 : vector<16xi32> to vector<16x1xi32>
        %gather3A_1321 = vector.shape_cast %broadcast_in_dim3A_1320 : vector<16x1xi32> to vector<16xi32>
        %gather3A_1322 = tpu.dynamic_gather %add3A_1319[%gather3A_1321] in [0] : vector<16xf32>, vector<16xi32> -> vector<16xf32>
        %add3A_1323 = arith.addf %add3A_1319, %gather3A_1322 : vector<16xf32>
        %broadcast_in_dim3A_1324 = vector.shape_cast %and3A_198 : vector<16xi32> to vector<16x1xi32>
        %gather3A_1325 = vector.shape_cast %broadcast_in_dim3A_1324 : vector<16x1xi32> to vector<16xi32>
        %gather3A_1326 = tpu.dynamic_gather %add3A_1323[%gather3A_1325] in [0] : vector<16xf32>, vector<16xi32> -> vector<16xf32>
        %add3A_1327 = arith.addf %add3A_1323, %gather3A_1326 : vector<16xf32>
        %broadcast_in_dim3A_1328 = vector.shape_cast %and3A_204 : vector<16xi32> to vector<16x1xi32>
        %gather3A_1329 = vector.shape_cast %broadcast_in_dim3A_1328 : vector<16x1xi32> to vector<16xi32>
        %gather3A_1330 = tpu.dynamic_gather %add3A_1327[%gather3A_1329] in [0] : vector<16xf32>, vector<16xi32> -> vector<16xf32>
        %add3A_1331 = arith.addf %add3A_1327, %gather3A_1330 : vector<16xf32>
        %eq3A_1332 = arith.constant 11 : i32
        %eq3A_1333 = vector.broadcast %eq3A_1332 : i32 to vector<16xi32>
        %eq3A_1334 = arith.cmpi eq, %iota3A, %eq3A_1333 : vector<16xi32>
        %select_n3A_1335 = arith.select %eq3A_1334, %add3A_1331, %select_n3A_1288 : vector<16xi1>, vector<16xf32>
        %mul3A_1336 = arith.constant 20 : i32
        %mul3A_1337 = arith.muli %scan3A_213, %mul3A_1336 : i32
        %add3A_1338 = arith.constant 11 : i32
        %add3A_1339 = arith.addi %mul3A_1337, %add3A_1338 : i32
        %get3A_1340 = arith.index_cast %add3A_1339 : i32 to index
        %get3A_1341 = arith.constant 0 : index
        %get3A_1342 = tpu.vector_load %arg12[%get3A_1340, %get3A_1341] {strides = array<i32>} : memref<640x64xf32, #tpu.memory_space<vmem>>, vector<1x16xf32>,
        %get3A_1343 = vector.shape_cast %get3A_1342 : vector<1x16xf32> to vector<16xf32>
        %mul3A_1344 = arith.mulf %mul3A_766, %get3A_1343 : vector<16xf32>
        %get3A_1345 = arith.index_cast %add3A_1339 : i32 to index
        %get3A_1346 = arith.constant 16 : index
        %get3A_1347 = tpu.vector_load %arg12[%get3A_1345, %get3A_1346] {strides = array<i32>} : memref<640x64xf32, #tpu.memory_space<vmem>>, vector<1x16xf32>,
        %get3A_1348 = vector.shape_cast %get3A_1347 : vector<1x16xf32> to vector<16xf32>
        %mul3A_1349 = arith.mulf %mul3A_769, %get3A_1348 : vector<16xf32>
        %add3A_1350 = arith.addf %mul3A_1344, %mul3A_1349 : vector<16xf32>
        %get3A_1351 = arith.index_cast %add3A_1339 : i32 to index
        %get3A_1352 = arith.constant 32 : index
        %get3A_1353 = tpu.vector_load %arg12[%get3A_1351, %get3A_1352] {strides = array<i32>} : memref<640x64xf32, #tpu.memory_space<vmem>>, vector<1x16xf32>,
        %get3A_1354 = vector.shape_cast %get3A_1353 : vector<1x16xf32> to vector<16xf32>
        %mul3A_1355 = arith.mulf %mul3A_772, %get3A_1354 : vector<16xf32>
        %add3A_1356 = arith.addf %add3A_1350, %mul3A_1355 : vector<16xf32>
        %get3A_1357 = arith.index_cast %add3A_1339 : i32 to index
        %get3A_1358 = arith.constant 48 : index
        %get3A_1359 = tpu.vector_load %arg12[%get3A_1357, %get3A_1358] {strides = array<i32>} : memref<640x64xf32, #tpu.memory_space<vmem>>, vector<1x16xf32>,
        %get3A_1360 = vector.shape_cast %get3A_1359 : vector<1x16xf32> to vector<16xf32>
        %mul3A_1361 = arith.mulf %mul3A_775, %get3A_1360 : vector<16xf32>
        %add3A_1362 = arith.addf %add3A_1356, %mul3A_1361 : vector<16xf32>
        %broadcast_in_dim3A_1363 = vector.shape_cast %and3A_186 : vector<16xi32> to vector<16x1xi32>
        %gather3A_1364 = vector.shape_cast %broadcast_in_dim3A_1363 : vector<16x1xi32> to vector<16xi32>
        %gather3A_1365 = tpu.dynamic_gather %add3A_1362[%gather3A_1364] in [0] : vector<16xf32>, vector<16xi32> -> vector<16xf32>
        %add3A_1366 = arith.addf %add3A_1362, %gather3A_1365 : vector<16xf32>
        %broadcast_in_dim3A_1367 = vector.shape_cast %and3A_192 : vector<16xi32> to vector<16x1xi32>
        %gather3A_1368 = vector.shape_cast %broadcast_in_dim3A_1367 : vector<16x1xi32> to vector<16xi32>
        %gather3A_1369 = tpu.dynamic_gather %add3A_1366[%gather3A_1368] in [0] : vector<16xf32>, vector<16xi32> -> vector<16xf32>
        %add3A_1370 = arith.addf %add3A_1366, %gather3A_1369 : vector<16xf32>
        %broadcast_in_dim3A_1371 = vector.shape_cast %and3A_198 : vector<16xi32> to vector<16x1xi32>
        %gather3A_1372 = vector.shape_cast %broadcast_in_dim3A_1371 : vector<16x1xi32> to vector<16xi32>
        %gather3A_1373 = tpu.dynamic_gather %add3A_1370[%gather3A_1372] in [0] : vector<16xf32>, vector<16xi32> -> vector<16xf32>
        %add3A_1374 = arith.addf %add3A_1370, %gather3A_1373 : vector<16xf32>
        %broadcast_in_dim3A_1375 = vector.shape_cast %and3A_204 : vector<16xi32> to vector<16x1xi32>
        %gather3A_1376 = vector.shape_cast %broadcast_in_dim3A_1375 : vector<16x1xi32> to vector<16xi32>
        %gather3A_1377 = tpu.dynamic_gather %add3A_1374[%gather3A_1376] in [0] : vector<16xf32>, vector<16xi32> -> vector<16xf32>
        %add3A_1378 = arith.addf %add3A_1374, %gather3A_1377 : vector<16xf32>
        %eq3A_1379 = arith.constant 12 : i32
        %eq3A_1380 = vector.broadcast %eq3A_1379 : i32 to vector<16xi32>
        %eq3A_1381 = arith.cmpi eq, %iota3A, %eq3A_1380 : vector<16xi32>
        %select_n3A_1382 = arith.select %eq3A_1381, %add3A_1378, %select_n3A_1335 : vector<16xi1>, vector<16xf32>
        %mul3A_1383 = arith.constant 20 : i32
        %mul3A_1384 = arith.muli %scan3A_213, %mul3A_1383 : i32
        %add3A_1385 = arith.constant 12 : i32
        %add3A_1386 = arith.addi %mul3A_1384, %add3A_1385 : i32
        %get3A_1387 = arith.index_cast %add3A_1386 : i32 to index
        %get3A_1388 = arith.constant 0 : index
        %get3A_1389 = tpu.vector_load %arg12[%get3A_1387, %get3A_1388] {strides = array<i32>} : memref<640x64xf32, #tpu.memory_space<vmem>>, vector<1x16xf32>,
        %get3A_1390 = vector.shape_cast %get3A_1389 : vector<1x16xf32> to vector<16xf32>
        %mul3A_1391 = arith.mulf %mul3A_766, %get3A_1390 : vector<16xf32>
        %get3A_1392 = arith.index_cast %add3A_1386 : i32 to index
        %get3A_1393 = arith.constant 16 : index
        %get3A_1394 = tpu.vector_load %arg12[%get3A_1392, %get3A_1393] {strides = array<i32>} : memref<640x64xf32, #tpu.memory_space<vmem>>, vector<1x16xf32>,
        %get3A_1395 = vector.shape_cast %get3A_1394 : vector<1x16xf32> to vector<16xf32>
        %mul3A_1396 = arith.mulf %mul3A_769, %get3A_1395 : vector<16xf32>
        %add3A_1397 = arith.addf %mul3A_1391, %mul3A_1396 : vector<16xf32>
        %get3A_1398 = arith.index_cast %add3A_1386 : i32 to index
        %get3A_1399 = arith.constant 32 : index
        %get3A_1400 = tpu.vector_load %arg12[%get3A_1398, %get3A_1399] {strides = array<i32>} : memref<640x64xf32, #tpu.memory_space<vmem>>, vector<1x16xf32>,
        %get3A_1401 = vector.shape_cast %get3A_1400 : vector<1x16xf32> to vector<16xf32>
        %mul3A_1402 = arith.mulf %mul3A_772, %get3A_1401 : vector<16xf32>
        %add3A_1403 = arith.addf %add3A_1397, %mul3A_1402 : vector<16xf32>
        %get3A_1404 = arith.index_cast %add3A_1386 : i32 to index
        %get3A_1405 = arith.constant 48 : index
        %get3A_1406 = tpu.vector_load %arg12[%get3A_1404, %get3A_1405] {strides = array<i32>} : memref<640x64xf32, #tpu.memory_space<vmem>>, vector<1x16xf32>,
        %get3A_1407 = vector.shape_cast %get3A_1406 : vector<1x16xf32> to vector<16xf32>
        %mul3A_1408 = arith.mulf %mul3A_775, %get3A_1407 : vector<16xf32>
        %add3A_1409 = arith.addf %add3A_1403, %mul3A_1408 : vector<16xf32>
        %broadcast_in_dim3A_1410 = vector.shape_cast %and3A_186 : vector<16xi32> to vector<16x1xi32>
        %gather3A_1411 = vector.shape_cast %broadcast_in_dim3A_1410 : vector<16x1xi32> to vector<16xi32>
        %gather3A_1412 = tpu.dynamic_gather %add3A_1409[%gather3A_1411] in [0] : vector<16xf32>, vector<16xi32> -> vector<16xf32>
        %add3A_1413 = arith.addf %add3A_1409, %gather3A_1412 : vector<16xf32>
        %broadcast_in_dim3A_1414 = vector.shape_cast %and3A_192 : vector<16xi32> to vector<16x1xi32>
        %gather3A_1415 = vector.shape_cast %broadcast_in_dim3A_1414 : vector<16x1xi32> to vector<16xi32>
        %gather3A_1416 = tpu.dynamic_gather %add3A_1413[%gather3A_1415] in [0] : vector<16xf32>, vector<16xi32> -> vector<16xf32>
        %add3A_1417 = arith.addf %add3A_1413, %gather3A_1416 : vector<16xf32>
        %broadcast_in_dim3A_1418 = vector.shape_cast %and3A_198 : vector<16xi32> to vector<16x1xi32>
        %gather3A_1419 = vector.shape_cast %broadcast_in_dim3A_1418 : vector<16x1xi32> to vector<16xi32>
        %gather3A_1420 = tpu.dynamic_gather %add3A_1417[%gather3A_1419] in [0] : vector<16xf32>, vector<16xi32> -> vector<16xf32>
        %add3A_1421 = arith.addf %add3A_1417, %gather3A_1420 : vector<16xf32>
        %broadcast_in_dim3A_1422 = vector.shape_cast %and3A_204 : vector<16xi32> to vector<16x1xi32>
        %gather3A_1423 = vector.shape_cast %broadcast_in_dim3A_1422 : vector<16x1xi32> to vector<16xi32>
        %gather3A_1424 = tpu.dynamic_gather %add3A_1421[%gather3A_1423] in [0] : vector<16xf32>, vector<16xi32> -> vector<16xf32>
        %add3A_1425 = arith.addf %add3A_1421, %gather3A_1424 : vector<16xf32>
        %eq3A_1426 = arith.constant 13 : i32
        %eq3A_1427 = vector.broadcast %eq3A_1426 : i32 to vector<16xi32>
        %eq3A_1428 = arith.cmpi eq, %iota3A, %eq3A_1427 : vector<16xi32>
        %select_n3A_1429 = arith.select %eq3A_1428, %add3A_1425, %select_n3A_1382 : vector<16xi1>, vector<16xf32>
        %mul3A_1430 = arith.constant 20 : i32
        %mul3A_1431 = arith.muli %scan3A_213, %mul3A_1430 : i32
        %add3A_1432 = arith.constant 13 : i32
        %add3A_1433 = arith.addi %mul3A_1431, %add3A_1432 : i32
        %get3A_1434 = arith.index_cast %add3A_1433 : i32 to index
        %get3A_1435 = arith.constant 0 : index
        %get3A_1436 = tpu.vector_load %arg12[%get3A_1434, %get3A_1435] {strides = array<i32>} : memref<640x64xf32, #tpu.memory_space<vmem>>, vector<1x16xf32>,
        %get3A_1437 = vector.shape_cast %get3A_1436 : vector<1x16xf32> to vector<16xf32>
        %mul3A_1438 = arith.mulf %mul3A_766, %get3A_1437 : vector<16xf32>
        %get3A_1439 = arith.index_cast %add3A_1433 : i32 to index
        %get3A_1440 = arith.constant 16 : index
        %get3A_1441 = tpu.vector_load %arg12[%get3A_1439, %get3A_1440] {strides = array<i32>} : memref<640x64xf32, #tpu.memory_space<vmem>>, vector<1x16xf32>,
        %get3A_1442 = vector.shape_cast %get3A_1441 : vector<1x16xf32> to vector<16xf32>
        %mul3A_1443 = arith.mulf %mul3A_769, %get3A_1442 : vector<16xf32>
        %add3A_1444 = arith.addf %mul3A_1438, %mul3A_1443 : vector<16xf32>
        %get3A_1445 = arith.index_cast %add3A_1433 : i32 to index
        %get3A_1446 = arith.constant 32 : index
        %get3A_1447 = tpu.vector_load %arg12[%get3A_1445, %get3A_1446] {strides = array<i32>} : memref<640x64xf32, #tpu.memory_space<vmem>>, vector<1x16xf32>,
        %get3A_1448 = vector.shape_cast %get3A_1447 : vector<1x16xf32> to vector<16xf32>
        %mul3A_1449 = arith.mulf %mul3A_772, %get3A_1448 : vector<16xf32>
        %add3A_1450 = arith.addf %add3A_1444, %mul3A_1449 : vector<16xf32>
        %get3A_1451 = arith.index_cast %add3A_1433 : i32 to index
        %get3A_1452 = arith.constant 48 : index
        %get3A_1453 = tpu.vector_load %arg12[%get3A_1451, %get3A_1452] {strides = array<i32>} : memref<640x64xf32, #tpu.memory_space<vmem>>, vector<1x16xf32>,
        %get3A_1454 = vector.shape_cast %get3A_1453 : vector<1x16xf32> to vector<16xf32>
        %mul3A_1455 = arith.mulf %mul3A_775, %get3A_1454 : vector<16xf32>
        %add3A_1456 = arith.addf %add3A_1450, %mul3A_1455 : vector<16xf32>
        %broadcast_in_dim3A_1457 = vector.shape_cast %and3A_186 : vector<16xi32> to vector<16x1xi32>
        %gather3A_1458 = vector.shape_cast %broadcast_in_dim3A_1457 : vector<16x1xi32> to vector<16xi32>
        %gather3A_1459 = tpu.dynamic_gather %add3A_1456[%gather3A_1458] in [0] : vector<16xf32>, vector<16xi32> -> vector<16xf32>
        %add3A_1460 = arith.addf %add3A_1456, %gather3A_1459 : vector<16xf32>
        %broadcast_in_dim3A_1461 = vector.shape_cast %and3A_192 : vector<16xi32> to vector<16x1xi32>
        %gather3A_1462 = vector.shape_cast %broadcast_in_dim3A_1461 : vector<16x1xi32> to vector<16xi32>
        %gather3A_1463 = tpu.dynamic_gather %add3A_1460[%gather3A_1462] in [0] : vector<16xf32>, vector<16xi32> -> vector<16xf32>
        %add3A_1464 = arith.addf %add3A_1460, %gather3A_1463 : vector<16xf32>
        %broadcast_in_dim3A_1465 = vector.shape_cast %and3A_198 : vector<16xi32> to vector<16x1xi32>
        %gather3A_1466 = vector.shape_cast %broadcast_in_dim3A_1465 : vector<16x1xi32> to vector<16xi32>
        %gather3A_1467 = tpu.dynamic_gather %add3A_1464[%gather3A_1466] in [0] : vector<16xf32>, vector<16xi32> -> vector<16xf32>
        %add3A_1468 = arith.addf %add3A_1464, %gather3A_1467 : vector<16xf32>
        %broadcast_in_dim3A_1469 = vector.shape_cast %and3A_204 : vector<16xi32> to vector<16x1xi32>
        %gather3A_1470 = vector.shape_cast %broadcast_in_dim3A_1469 : vector<16x1xi32> to vector<16xi32>
        %gather3A_1471 = tpu.dynamic_gather %add3A_1468[%gather3A_1470] in [0] : vector<16xf32>, vector<16xi32> -> vector<16xf32>
        %add3A_1472 = arith.addf %add3A_1468, %gather3A_1471 : vector<16xf32>
        %eq3A_1473 = arith.constant 14 : i32
        %eq3A_1474 = vector.broadcast %eq3A_1473 : i32 to vector<16xi32>
        %eq3A_1475 = arith.cmpi eq, %iota3A, %eq3A_1474 : vector<16xi32>
        %select_n3A_1476 = arith.select %eq3A_1475, %add3A_1472, %select_n3A_1429 : vector<16xi1>, vector<16xf32>
        %mul3A_1477 = arith.constant 20 : i32
        %mul3A_1478 = arith.muli %scan3A_213, %mul3A_1477 : i32
        %add3A_1479 = arith.constant 14 : i32
        %add3A_1480 = arith.addi %mul3A_1478, %add3A_1479 : i32
        %get3A_1481 = arith.index_cast %add3A_1480 : i32 to index
        %get3A_1482 = arith.constant 0 : index
        %get3A_1483 = tpu.vector_load %arg12[%get3A_1481, %get3A_1482] {strides = array<i32>} : memref<640x64xf32, #tpu.memory_space<vmem>>, vector<1x16xf32>,
        %get3A_1484 = vector.shape_cast %get3A_1483 : vector<1x16xf32> to vector<16xf32>
        %mul3A_1485 = arith.mulf %mul3A_766, %get3A_1484 : vector<16xf32>
        %get3A_1486 = arith.index_cast %add3A_1480 : i32 to index
        %get3A_1487 = arith.constant 16 : index
        %get3A_1488 = tpu.vector_load %arg12[%get3A_1486, %get3A_1487] {strides = array<i32>} : memref<640x64xf32, #tpu.memory_space<vmem>>, vector<1x16xf32>,
        %get3A_1489 = vector.shape_cast %get3A_1488 : vector<1x16xf32> to vector<16xf32>
        %mul3A_1490 = arith.mulf %mul3A_769, %get3A_1489 : vector<16xf32>
        %add3A_1491 = arith.addf %mul3A_1485, %mul3A_1490 : vector<16xf32>
        %get3A_1492 = arith.index_cast %add3A_1480 : i32 to index
        %get3A_1493 = arith.constant 32 : index
        %get3A_1494 = tpu.vector_load %arg12[%get3A_1492, %get3A_1493] {strides = array<i32>} : memref<640x64xf32, #tpu.memory_space<vmem>>, vector<1x16xf32>,
        %get3A_1495 = vector.shape_cast %get3A_1494 : vector<1x16xf32> to vector<16xf32>
        %mul3A_1496 = arith.mulf %mul3A_772, %get3A_1495 : vector<16xf32>
        %add3A_1497 = arith.addf %add3A_1491, %mul3A_1496 : vector<16xf32>
        %get3A_1498 = arith.index_cast %add3A_1480 : i32 to index
        %get3A_1499 = arith.constant 48 : index
        %get3A_1500 = tpu.vector_load %arg12[%get3A_1498, %get3A_1499] {strides = array<i32>} : memref<640x64xf32, #tpu.memory_space<vmem>>, vector<1x16xf32>,
        %get3A_1501 = vector.shape_cast %get3A_1500 : vector<1x16xf32> to vector<16xf32>
        %mul3A_1502 = arith.mulf %mul3A_775, %get3A_1501 : vector<16xf32>
        %add3A_1503 = arith.addf %add3A_1497, %mul3A_1502 : vector<16xf32>
        %broadcast_in_dim3A_1504 = vector.shape_cast %and3A_186 : vector<16xi32> to vector<16x1xi32>
        %gather3A_1505 = vector.shape_cast %broadcast_in_dim3A_1504 : vector<16x1xi32> to vector<16xi32>
        %gather3A_1506 = tpu.dynamic_gather %add3A_1503[%gather3A_1505] in [0] : vector<16xf32>, vector<16xi32> -> vector<16xf32>
        %add3A_1507 = arith.addf %add3A_1503, %gather3A_1506 : vector<16xf32>
        %broadcast_in_dim3A_1508 = vector.shape_cast %and3A_192 : vector<16xi32> to vector<16x1xi32>
        %gather3A_1509 = vector.shape_cast %broadcast_in_dim3A_1508 : vector<16x1xi32> to vector<16xi32>
        %gather3A_1510 = tpu.dynamic_gather %add3A_1507[%gather3A_1509] in [0] : vector<16xf32>, vector<16xi32> -> vector<16xf32>
        %add3A_1511 = arith.addf %add3A_1507, %gather3A_1510 : vector<16xf32>
        %broadcast_in_dim3A_1512 = vector.shape_cast %and3A_198 : vector<16xi32> to vector<16x1xi32>
        %gather3A_1513 = vector.shape_cast %broadcast_in_dim3A_1512 : vector<16x1xi32> to vector<16xi32>
        %gather3A_1514 = tpu.dynamic_gather %add3A_1511[%gather3A_1513] in [0] : vector<16xf32>, vector<16xi32> -> vector<16xf32>
        %add3A_1515 = arith.addf %add3A_1511, %gather3A_1514 : vector<16xf32>
        %broadcast_in_dim3A_1516 = vector.shape_cast %and3A_204 : vector<16xi32> to vector<16x1xi32>
        %gather3A_1517 = vector.shape_cast %broadcast_in_dim3A_1516 : vector<16x1xi32> to vector<16xi32>
        %gather3A_1518 = tpu.dynamic_gather %add3A_1515[%gather3A_1517] in [0] : vector<16xf32>, vector<16xi32> -> vector<16xf32>
        %add3A_1519 = arith.addf %add3A_1515, %gather3A_1518 : vector<16xf32>
        %eq3A_1520 = arith.constant 15 : i32
        %eq3A_1521 = vector.broadcast %eq3A_1520 : i32 to vector<16xi32>
        %eq3A_1522 = arith.cmpi eq, %iota3A, %eq3A_1521 : vector<16xi32>
        %select_n3A_1523 = arith.select %eq3A_1522, %add3A_1519, %select_n3A_1476 : vector<16xi1>, vector<16xf32>
        %mul3A_1524 = arith.constant 20 : i32
        %mul3A_1525 = arith.muli %scan3A_213, %mul3A_1524 : i32
        %add3A_1526 = arith.constant 15 : i32
        %add3A_1527 = arith.addi %mul3A_1525, %add3A_1526 : i32
        %get3A_1528 = arith.index_cast %add3A_1527 : i32 to index
        %get3A_1529 = arith.constant 0 : index
        %get3A_1530 = tpu.vector_load %arg12[%get3A_1528, %get3A_1529] {strides = array<i32>} : memref<640x64xf32, #tpu.memory_space<vmem>>, vector<1x16xf32>,
        %get3A_1531 = vector.shape_cast %get3A_1530 : vector<1x16xf32> to vector<16xf32>
        %mul3A_1532 = arith.mulf %mul3A_766, %get3A_1531 : vector<16xf32>
        %get3A_1533 = arith.index_cast %add3A_1527 : i32 to index
        %get3A_1534 = arith.constant 16 : index
        %get3A_1535 = tpu.vector_load %arg12[%get3A_1533, %get3A_1534] {strides = array<i32>} : memref<640x64xf32, #tpu.memory_space<vmem>>, vector<1x16xf32>,
        %get3A_1536 = vector.shape_cast %get3A_1535 : vector<1x16xf32> to vector<16xf32>
        %mul3A_1537 = arith.mulf %mul3A_769, %get3A_1536 : vector<16xf32>
        %add3A_1538 = arith.addf %mul3A_1532, %mul3A_1537 : vector<16xf32>
        %get3A_1539 = arith.index_cast %add3A_1527 : i32 to index
        %get3A_1540 = arith.constant 32 : index
        %get3A_1541 = tpu.vector_load %arg12[%get3A_1539, %get3A_1540] {strides = array<i32>} : memref<640x64xf32, #tpu.memory_space<vmem>>, vector<1x16xf32>,
        %get3A_1542 = vector.shape_cast %get3A_1541 : vector<1x16xf32> to vector<16xf32>
        %mul3A_1543 = arith.mulf %mul3A_772, %get3A_1542 : vector<16xf32>
        %add3A_1544 = arith.addf %add3A_1538, %mul3A_1543 : vector<16xf32>
        %get3A_1545 = arith.index_cast %add3A_1527 : i32 to index
        %get3A_1546 = arith.constant 48 : index
        %get3A_1547 = tpu.vector_load %arg12[%get3A_1545, %get3A_1546] {strides = array<i32>} : memref<640x64xf32, #tpu.memory_space<vmem>>, vector<1x16xf32>,
        %get3A_1548 = vector.shape_cast %get3A_1547 : vector<1x16xf32> to vector<16xf32>
        %mul3A_1549 = arith.mulf %mul3A_775, %get3A_1548 : vector<16xf32>
        %add3A_1550 = arith.addf %add3A_1544, %mul3A_1549 : vector<16xf32>
        %broadcast_in_dim3A_1551 = vector.shape_cast %and3A_186 : vector<16xi32> to vector<16x1xi32>
        %gather3A_1552 = vector.shape_cast %broadcast_in_dim3A_1551 : vector<16x1xi32> to vector<16xi32>
        %gather3A_1553 = tpu.dynamic_gather %add3A_1550[%gather3A_1552] in [0] : vector<16xf32>, vector<16xi32> -> vector<16xf32>
        %add3A_1554 = arith.addf %add3A_1550, %gather3A_1553 : vector<16xf32>
        %broadcast_in_dim3A_1555 = vector.shape_cast %and3A_192 : vector<16xi32> to vector<16x1xi32>
        %gather3A_1556 = vector.shape_cast %broadcast_in_dim3A_1555 : vector<16x1xi32> to vector<16xi32>
        %gather3A_1557 = tpu.dynamic_gather %add3A_1554[%gather3A_1556] in [0] : vector<16xf32>, vector<16xi32> -> vector<16xf32>
        %add3A_1558 = arith.addf %add3A_1554, %gather3A_1557 : vector<16xf32>
        %broadcast_in_dim3A_1559 = vector.shape_cast %and3A_198 : vector<16xi32> to vector<16x1xi32>
        %gather3A_1560 = vector.shape_cast %broadcast_in_dim3A_1559 : vector<16x1xi32> to vector<16xi32>
        %gather3A_1561 = tpu.dynamic_gather %add3A_1558[%gather3A_1560] in [0] : vector<16xf32>, vector<16xi32> -> vector<16xf32>
        %add3A_1562 = arith.addf %add3A_1558, %gather3A_1561 : vector<16xf32>
        %broadcast_in_dim3A_1563 = vector.shape_cast %and3A_204 : vector<16xi32> to vector<16x1xi32>
        %gather3A_1564 = vector.shape_cast %broadcast_in_dim3A_1563 : vector<16x1xi32> to vector<16xi32>
        %gather3A_1565 = tpu.dynamic_gather %add3A_1562[%gather3A_1564] in [0] : vector<16xf32>, vector<16xi32> -> vector<16xf32>
        %add3A_1566 = arith.addf %add3A_1562, %gather3A_1565 : vector<16xf32>
        %eq3A_1567 = arith.constant 0 : i32
        %eq3A_1568 = vector.broadcast %eq3A_1567 : i32 to vector<16xi32>
        %eq3A_1569 = arith.cmpi eq, %iota3A, %eq3A_1568 : vector<16xi32>
        %select_n3A_1570 = arith.select %eq3A_1569, %add3A_1566, %broadcast_in_dim3A_778 : vector<16xi1>, vector<16xf32>
        %mul3A_1571 = arith.constant 20 : i32
        %mul3A_1572 = arith.muli %scan3A_213, %mul3A_1571 : i32
        %add3A_1573 = arith.constant 16 : i32
        %add3A_1574 = arith.addi %mul3A_1572, %add3A_1573 : i32
        %get3A_1575 = arith.index_cast %add3A_1574 : i32 to index
        %get3A_1576 = arith.constant 0 : index
        %get3A_1577 = tpu.vector_load %arg12[%get3A_1575, %get3A_1576] {strides = array<i32>} : memref<640x64xf32, #tpu.memory_space<vmem>>, vector<1x16xf32>,
        %get3A_1578 = vector.shape_cast %get3A_1577 : vector<1x16xf32> to vector<16xf32>
        %mul3A_1579 = arith.mulf %mul3A_766, %get3A_1578 : vector<16xf32>
        %get3A_1580 = arith.index_cast %add3A_1574 : i32 to index
        %get3A_1581 = arith.constant 16 : index
        %get3A_1582 = tpu.vector_load %arg12[%get3A_1580, %get3A_1581] {strides = array<i32>} : memref<640x64xf32, #tpu.memory_space<vmem>>, vector<1x16xf32>,
        %get3A_1583 = vector.shape_cast %get3A_1582 : vector<1x16xf32> to vector<16xf32>
        %mul3A_1584 = arith.mulf %mul3A_769, %get3A_1583 : vector<16xf32>
        %add3A_1585 = arith.addf %mul3A_1579, %mul3A_1584 : vector<16xf32>
        %get3A_1586 = arith.index_cast %add3A_1574 : i32 to index
        %get3A_1587 = arith.constant 32 : index
        %get3A_1588 = tpu.vector_load %arg12[%get3A_1586, %get3A_1587] {strides = array<i32>} : memref<640x64xf32, #tpu.memory_space<vmem>>, vector<1x16xf32>,
        %get3A_1589 = vector.shape_cast %get3A_1588 : vector<1x16xf32> to vector<16xf32>
        %mul3A_1590 = arith.mulf %mul3A_772, %get3A_1589 : vector<16xf32>
        %add3A_1591 = arith.addf %add3A_1585, %mul3A_1590 : vector<16xf32>
        %get3A_1592 = arith.index_cast %add3A_1574 : i32 to index
        %get3A_1593 = arith.constant 48 : index
        %get3A_1594 = tpu.vector_load %arg12[%get3A_1592, %get3A_1593] {strides = array<i32>} : memref<640x64xf32, #tpu.memory_space<vmem>>, vector<1x16xf32>,
        %get3A_1595 = vector.shape_cast %get3A_1594 : vector<1x16xf32> to vector<16xf32>
        %mul3A_1596 = arith.mulf %mul3A_775, %get3A_1595 : vector<16xf32>
        %add3A_1597 = arith.addf %add3A_1591, %mul3A_1596 : vector<16xf32>
        %broadcast_in_dim3A_1598 = vector.shape_cast %and3A_186 : vector<16xi32> to vector<16x1xi32>
        %gather3A_1599 = vector.shape_cast %broadcast_in_dim3A_1598 : vector<16x1xi32> to vector<16xi32>
        %gather3A_1600 = tpu.dynamic_gather %add3A_1597[%gather3A_1599] in [0] : vector<16xf32>, vector<16xi32> -> vector<16xf32>
        %add3A_1601 = arith.addf %add3A_1597, %gather3A_1600 : vector<16xf32>
        %broadcast_in_dim3A_1602 = vector.shape_cast %and3A_192 : vector<16xi32> to vector<16x1xi32>
        %gather3A_1603 = vector.shape_cast %broadcast_in_dim3A_1602 : vector<16x1xi32> to vector<16xi32>
        %gather3A_1604 = tpu.dynamic_gather %add3A_1601[%gather3A_1603] in [0] : vector<16xf32>, vector<16xi32> -> vector<16xf32>
        %add3A_1605 = arith.addf %add3A_1601, %gather3A_1604 : vector<16xf32>
        %broadcast_in_dim3A_1606 = vector.shape_cast %and3A_198 : vector<16xi32> to vector<16x1xi32>
        %gather3A_1607 = vector.shape_cast %broadcast_in_dim3A_1606 : vector<16x1xi32> to vector<16xi32>
        %gather3A_1608 = tpu.dynamic_gather %add3A_1605[%gather3A_1607] in [0] : vector<16xf32>, vector<16xi32> -> vector<16xf32>
        %add3A_1609 = arith.addf %add3A_1605, %gather3A_1608 : vector<16xf32>
        %broadcast_in_dim3A_1610 = vector.shape_cast %and3A_204 : vector<16xi32> to vector<16x1xi32>
        %gather3A_1611 = vector.shape_cast %broadcast_in_dim3A_1610 : vector<16x1xi32> to vector<16xi32>
        %gather3A_1612 = tpu.dynamic_gather %add3A_1609[%gather3A_1611] in [0] : vector<16xf32>, vector<16xi32> -> vector<16xf32>
        %add3A_1613 = arith.addf %add3A_1609, %gather3A_1612 : vector<16xf32>
        %eq3A_1614 = arith.constant 1 : i32
        %eq3A_1615 = vector.broadcast %eq3A_1614 : i32 to vector<16xi32>
        %eq3A_1616 = arith.cmpi eq, %iota3A, %eq3A_1615 : vector<16xi32>
        %select_n3A_1617 = arith.select %eq3A_1616, %add3A_1613, %select_n3A_1570 : vector<16xi1>, vector<16xf32>
        %mul3A_1618 = arith.constant 20 : i32
        %mul3A_1619 = arith.muli %scan3A_213, %mul3A_1618 : i32
        %add3A_1620 = arith.constant 17 : i32
        %add3A_1621 = arith.addi %mul3A_1619, %add3A_1620 : i32
        %get3A_1622 = arith.index_cast %add3A_1621 : i32 to index
        %get3A_1623 = arith.constant 0 : index
        %get3A_1624 = tpu.vector_load %arg12[%get3A_1622, %get3A_1623] {strides = array<i32>} : memref<640x64xf32, #tpu.memory_space<vmem>>, vector<1x16xf32>,
        %get3A_1625 = vector.shape_cast %get3A_1624 : vector<1x16xf32> to vector<16xf32>
        %mul3A_1626 = arith.mulf %mul3A_766, %get3A_1625 : vector<16xf32>
        %get3A_1627 = arith.index_cast %add3A_1621 : i32 to index
        %get3A_1628 = arith.constant 16 : index
        %get3A_1629 = tpu.vector_load %arg12[%get3A_1627, %get3A_1628] {strides = array<i32>} : memref<640x64xf32, #tpu.memory_space<vmem>>, vector<1x16xf32>,
        %get3A_1630 = vector.shape_cast %get3A_1629 : vector<1x16xf32> to vector<16xf32>
        %mul3A_1631 = arith.mulf %mul3A_769, %get3A_1630 : vector<16xf32>
        %add3A_1632 = arith.addf %mul3A_1626, %mul3A_1631 : vector<16xf32>
        %get3A_1633 = arith.index_cast %add3A_1621 : i32 to index
        %get3A_1634 = arith.constant 32 : index
        %get3A_1635 = tpu.vector_load %arg12[%get3A_1633, %get3A_1634] {strides = array<i32>} : memref<640x64xf32, #tpu.memory_space<vmem>>, vector<1x16xf32>,
        %get3A_1636 = vector.shape_cast %get3A_1635 : vector<1x16xf32> to vector<16xf32>
        %mul3A_1637 = arith.mulf %mul3A_772, %get3A_1636 : vector<16xf32>
        %add3A_1638 = arith.addf %add3A_1632, %mul3A_1637 : vector<16xf32>
        %get3A_1639 = arith.index_cast %add3A_1621 : i32 to index
        %get3A_1640 = arith.constant 48 : index
        %get3A_1641 = tpu.vector_load %arg12[%get3A_1639, %get3A_1640] {strides = array<i32>} : memref<640x64xf32, #tpu.memory_space<vmem>>, vector<1x16xf32>,
        %get3A_1642 = vector.shape_cast %get3A_1641 : vector<1x16xf32> to vector<16xf32>
        %mul3A_1643 = arith.mulf %mul3A_775, %get3A_1642 : vector<16xf32>
        %add3A_1644 = arith.addf %add3A_1638, %mul3A_1643 : vector<16xf32>
        %broadcast_in_dim3A_1645 = vector.shape_cast %and3A_186 : vector<16xi32> to vector<16x1xi32>
        %gather3A_1646 = vector.shape_cast %broadcast_in_dim3A_1645 : vector<16x1xi32> to vector<16xi32>
        %gather3A_1647 = tpu.dynamic_gather %add3A_1644[%gather3A_1646] in [0] : vector<16xf32>, vector<16xi32> -> vector<16xf32>
        %add3A_1648 = arith.addf %add3A_1644, %gather3A_1647 : vector<16xf32>
        %broadcast_in_dim3A_1649 = vector.shape_cast %and3A_192 : vector<16xi32> to vector<16x1xi32>
        %gather3A_1650 = vector.shape_cast %broadcast_in_dim3A_1649 : vector<16x1xi32> to vector<16xi32>
        %gather3A_1651 = tpu.dynamic_gather %add3A_1648[%gather3A_1650] in [0] : vector<16xf32>, vector<16xi32> -> vector<16xf32>
        %add3A_1652 = arith.addf %add3A_1648, %gather3A_1651 : vector<16xf32>
        %broadcast_in_dim3A_1653 = vector.shape_cast %and3A_198 : vector<16xi32> to vector<16x1xi32>
        %gather3A_1654 = vector.shape_cast %broadcast_in_dim3A_1653 : vector<16x1xi32> to vector<16xi32>
        %gather3A_1655 = tpu.dynamic_gather %add3A_1652[%gather3A_1654] in [0] : vector<16xf32>, vector<16xi32> -> vector<16xf32>
        %add3A_1656 = arith.addf %add3A_1652, %gather3A_1655 : vector<16xf32>
        %broadcast_in_dim3A_1657 = vector.shape_cast %and3A_204 : vector<16xi32> to vector<16x1xi32>
        %gather3A_1658 = vector.shape_cast %broadcast_in_dim3A_1657 : vector<16x1xi32> to vector<16xi32>
        %gather3A_1659 = tpu.dynamic_gather %add3A_1656[%gather3A_1658] in [0] : vector<16xf32>, vector<16xi32> -> vector<16xf32>
        %add3A_1660 = arith.addf %add3A_1656, %gather3A_1659 : vector<16xf32>
        %eq3A_1661 = arith.constant 2 : i32
        %eq3A_1662 = vector.broadcast %eq3A_1661 : i32 to vector<16xi32>
        %eq3A_1663 = arith.cmpi eq, %iota3A, %eq3A_1662 : vector<16xi32>
        %select_n3A_1664 = arith.select %eq3A_1663, %add3A_1660, %select_n3A_1617 : vector<16xi1>, vector<16xf32>
        %mul3A_1665 = arith.constant 20 : i32
        %mul3A_1666 = arith.muli %scan3A_213, %mul3A_1665 : i32
        %add3A_1667 = arith.constant 18 : i32
        %add3A_1668 = arith.addi %mul3A_1666, %add3A_1667 : i32
        %get3A_1669 = arith.index_cast %add3A_1668 : i32 to index
        %get3A_1670 = arith.constant 0 : index
        %get3A_1671 = tpu.vector_load %arg12[%get3A_1669, %get3A_1670] {strides = array<i32>} : memref<640x64xf32, #tpu.memory_space<vmem>>, vector<1x16xf32>,
        %get3A_1672 = vector.shape_cast %get3A_1671 : vector<1x16xf32> to vector<16xf32>
        %mul3A_1673 = arith.mulf %mul3A_766, %get3A_1672 : vector<16xf32>
        %get3A_1674 = arith.index_cast %add3A_1668 : i32 to index
        %get3A_1675 = arith.constant 16 : index
        %get3A_1676 = tpu.vector_load %arg12[%get3A_1674, %get3A_1675] {strides = array<i32>} : memref<640x64xf32, #tpu.memory_space<vmem>>, vector<1x16xf32>,
        %get3A_1677 = vector.shape_cast %get3A_1676 : vector<1x16xf32> to vector<16xf32>
        %mul3A_1678 = arith.mulf %mul3A_769, %get3A_1677 : vector<16xf32>
        %add3A_1679 = arith.addf %mul3A_1673, %mul3A_1678 : vector<16xf32>
        %get3A_1680 = arith.index_cast %add3A_1668 : i32 to index
        %get3A_1681 = arith.constant 32 : index
        %get3A_1682 = tpu.vector_load %arg12[%get3A_1680, %get3A_1681] {strides = array<i32>} : memref<640x64xf32, #tpu.memory_space<vmem>>, vector<1x16xf32>,
        %get3A_1683 = vector.shape_cast %get3A_1682 : vector<1x16xf32> to vector<16xf32>
        %mul3A_1684 = arith.mulf %mul3A_772, %get3A_1683 : vector<16xf32>
        %add3A_1685 = arith.addf %add3A_1679, %mul3A_1684 : vector<16xf32>
        %get3A_1686 = arith.index_cast %add3A_1668 : i32 to index
        %get3A_1687 = arith.constant 48 : index
        %get3A_1688 = tpu.vector_load %arg12[%get3A_1686, %get3A_1687] {strides = array<i32>} : memref<640x64xf32, #tpu.memory_space<vmem>>, vector<1x16xf32>,
        %get3A_1689 = vector.shape_cast %get3A_1688 : vector<1x16xf32> to vector<16xf32>
        %mul3A_1690 = arith.mulf %mul3A_775, %get3A_1689 : vector<16xf32>
        %add3A_1691 = arith.addf %add3A_1685, %mul3A_1690 : vector<16xf32>
        %broadcast_in_dim3A_1692 = vector.shape_cast %and3A_186 : vector<16xi32> to vector<16x1xi32>
        %gather3A_1693 = vector.shape_cast %broadcast_in_dim3A_1692 : vector<16x1xi32> to vector<16xi32>
        %gather3A_1694 = tpu.dynamic_gather %add3A_1691[%gather3A_1693] in [0] : vector<16xf32>, vector<16xi32> -> vector<16xf32>
        %add3A_1695 = arith.addf %add3A_1691, %gather3A_1694 : vector<16xf32>
        %broadcast_in_dim3A_1696 = vector.shape_cast %and3A_192 : vector<16xi32> to vector<16x1xi32>
        %gather3A_1697 = vector.shape_cast %broadcast_in_dim3A_1696 : vector<16x1xi32> to vector<16xi32>
        %gather3A_1698 = tpu.dynamic_gather %add3A_1695[%gather3A_1697] in [0] : vector<16xf32>, vector<16xi32> -> vector<16xf32>
        %add3A_1699 = arith.addf %add3A_1695, %gather3A_1698 : vector<16xf32>
        %broadcast_in_dim3A_1700 = vector.shape_cast %and3A_198 : vector<16xi32> to vector<16x1xi32>
        %gather3A_1701 = vector.shape_cast %broadcast_in_dim3A_1700 : vector<16x1xi32> to vector<16xi32>
        %gather3A_1702 = tpu.dynamic_gather %add3A_1699[%gather3A_1701] in [0] : vector<16xf32>, vector<16xi32> -> vector<16xf32>
        %add3A_1703 = arith.addf %add3A_1699, %gather3A_1702 : vector<16xf32>
        %broadcast_in_dim3A_1704 = vector.shape_cast %and3A_204 : vector<16xi32> to vector<16x1xi32>
        %gather3A_1705 = vector.shape_cast %broadcast_in_dim3A_1704 : vector<16x1xi32> to vector<16xi32>
        %gather3A_1706 = tpu.dynamic_gather %add3A_1703[%gather3A_1705] in [0] : vector<16xf32>, vector<16xi32> -> vector<16xf32>
        %add3A_1707 = arith.addf %add3A_1703, %gather3A_1706 : vector<16xf32>
        %eq3A_1708 = arith.constant 3 : i32
        %eq3A_1709 = vector.broadcast %eq3A_1708 : i32 to vector<16xi32>
        %eq3A_1710 = arith.cmpi eq, %iota3A, %eq3A_1709 : vector<16xi32>
        %select_n3A_1711 = arith.select %eq3A_1710, %add3A_1707, %select_n3A_1664 : vector<16xi1>, vector<16xf32>
        %mul3A_1712 = arith.constant 20 : i32
        %mul3A_1713 = arith.muli %scan3A_213, %mul3A_1712 : i32
        %add3A_1714 = arith.constant 19 : i32
        %add3A_1715 = arith.addi %mul3A_1713, %add3A_1714 : i32
        %get3A_1716 = arith.index_cast %add3A_1715 : i32 to index
        %get3A_1717 = arith.constant 0 : index
        %get3A_1718 = tpu.vector_load %arg12[%get3A_1716, %get3A_1717] {strides = array<i32>} : memref<640x64xf32, #tpu.memory_space<vmem>>, vector<1x16xf32>,
        %get3A_1719 = vector.shape_cast %get3A_1718 : vector<1x16xf32> to vector<16xf32>
        %mul3A_1720 = arith.mulf %mul3A_766, %get3A_1719 : vector<16xf32>
        %get3A_1721 = arith.index_cast %add3A_1715 : i32 to index
        %get3A_1722 = arith.constant 16 : index
        %get3A_1723 = tpu.vector_load %arg12[%get3A_1721, %get3A_1722] {strides = array<i32>} : memref<640x64xf32, #tpu.memory_space<vmem>>, vector<1x16xf32>,
        %get3A_1724 = vector.shape_cast %get3A_1723 : vector<1x16xf32> to vector<16xf32>
        %mul3A_1725 = arith.mulf %mul3A_769, %get3A_1724 : vector<16xf32>
        %add3A_1726 = arith.addf %mul3A_1720, %mul3A_1725 : vector<16xf32>
        %get3A_1727 = arith.index_cast %add3A_1715 : i32 to index
        %get3A_1728 = arith.constant 32 : index
        %get3A_1729 = tpu.vector_load %arg12[%get3A_1727, %get3A_1728] {strides = array<i32>} : memref<640x64xf32, #tpu.memory_space<vmem>>, vector<1x16xf32>,
        %get3A_1730 = vector.shape_cast %get3A_1729 : vector<1x16xf32> to vector<16xf32>
        %mul3A_1731 = arith.mulf %mul3A_772, %get3A_1730 : vector<16xf32>
        %add3A_1732 = arith.addf %add3A_1726, %mul3A_1731 : vector<16xf32>
        %get3A_1733 = arith.index_cast %add3A_1715 : i32 to index
        %get3A_1734 = arith.constant 48 : index
        %get3A_1735 = tpu.vector_load %arg12[%get3A_1733, %get3A_1734] {strides = array<i32>} : memref<640x64xf32, #tpu.memory_space<vmem>>, vector<1x16xf32>,
        %get3A_1736 = vector.shape_cast %get3A_1735 : vector<1x16xf32> to vector<16xf32>
        %mul3A_1737 = arith.mulf %mul3A_775, %get3A_1736 : vector<16xf32>
        %add3A_1738 = arith.addf %add3A_1732, %mul3A_1737 : vector<16xf32>
        %broadcast_in_dim3A_1739 = vector.shape_cast %and3A_186 : vector<16xi32> to vector<16x1xi32>
        %gather3A_1740 = vector.shape_cast %broadcast_in_dim3A_1739 : vector<16x1xi32> to vector<16xi32>
        %gather3A_1741 = tpu.dynamic_gather %add3A_1738[%gather3A_1740] in [0] : vector<16xf32>, vector<16xi32> -> vector<16xf32>
        %add3A_1742 = arith.addf %add3A_1738, %gather3A_1741 : vector<16xf32>
        %broadcast_in_dim3A_1743 = vector.shape_cast %and3A_192 : vector<16xi32> to vector<16x1xi32>
        %gather3A_1744 = vector.shape_cast %broadcast_in_dim3A_1743 : vector<16x1xi32> to vector<16xi32>
        %gather3A_1745 = tpu.dynamic_gather %add3A_1742[%gather3A_1744] in [0] : vector<16xf32>, vector<16xi32> -> vector<16xf32>
        %add3A_1746 = arith.addf %add3A_1742, %gather3A_1745 : vector<16xf32>
        %broadcast_in_dim3A_1747 = vector.shape_cast %and3A_198 : vector<16xi32> to vector<16x1xi32>
        %gather3A_1748 = vector.shape_cast %broadcast_in_dim3A_1747 : vector<16x1xi32> to vector<16xi32>
        %gather3A_1749 = tpu.dynamic_gather %add3A_1746[%gather3A_1748] in [0] : vector<16xf32>, vector<16xi32> -> vector<16xf32>
        %add3A_1750 = arith.addf %add3A_1746, %gather3A_1749 : vector<16xf32>
        %broadcast_in_dim3A_1751 = vector.shape_cast %and3A_204 : vector<16xi32> to vector<16x1xi32>
        %gather3A_1752 = vector.shape_cast %broadcast_in_dim3A_1751 : vector<16x1xi32> to vector<16xi32>
        %gather3A_1753 = tpu.dynamic_gather %add3A_1750[%gather3A_1752] in [0] : vector<16xf32>, vector<16xi32> -> vector<16xf32>
        %add3A_1754 = arith.addf %add3A_1750, %gather3A_1753 : vector<16xf32>
        %eq3A_1755 = arith.constant 4 : i32
        %eq3A_1756 = vector.broadcast %eq3A_1755 : i32 to vector<16xi32>
        %eq3A_1757 = arith.cmpi eq, %iota3A, %eq3A_1756 : vector<16xi32>
        %select_n3A_1758 = arith.select %eq3A_1757, %add3A_1754, %select_n3A_1711 : vector<16xi1>, vector<16xf32>
        %swap3A = arith.index_cast %scan3A_213 : i32 to index
        %swap3A_1759 = arith.constant 0 : index
        %swap3A_1760 = tpu.vector_load %arg14[%swap3A, %swap3A_1759] {strides = array<i32>} : memref<32x32xf32, #tpu.memory_space<vmem>>, vector<1x16xf32>,
        %swap3A_1761 = vector.shape_cast %swap3A_1760 : vector<1x16xf32> to vector<16xf32>
        %swap3A_1762 = vector.shape_cast %select_n3A_1523 : vector<16xf32> to vector<1x16xf32>
        tpu.vector_store %arg14[%swap3A, %swap3A_1759], %swap3A_1762 {strides = array<i32>} : memref<32x32xf32, #tpu.memory_space<vmem>>, vector<1x16xf32>,
        %swap3A_1763 = arith.index_cast %scan3A_213 : i32 to index
        %swap3A_1764 = arith.constant 16 : index
        %swap3A_1765 = tpu.vector_load %arg14[%swap3A_1763, %swap3A_1764] {strides = array<i32>} : memref<32x32xf32, #tpu.memory_space<vmem>>, vector<1x16xf32>,
        %swap3A_1766 = vector.shape_cast %swap3A_1765 : vector<1x16xf32> to vector<16xf32>
        %swap3A_1767 = vector.shape_cast %select_n3A_1758 : vector<16xf32> to vector<1x16xf32>
        tpu.vector_store %arg14[%swap3A_1763, %swap3A_1764], %swap3A_1767 {strides = array<i32>} : memref<32x32xf32, #tpu.memory_space<vmem>>, vector<1x16xf32>,
        %scan3A_1768 = arith.constant 0 : i32
        scf.yield %scan3A_1768 : i32
      }
      %scan3A_211 = arith.constant 32 : i32
      "tpu.region"() ({
        %run_scoped3A = tpu.sem_alloc : memref<!tpu.dma_semaphore, #tpu.memory_space<semaphore_mem>>
        %dma_start3A_213 = arith.constant 0 : i32
        %dma_start3A_214 = tpu.memref_slice %arg7[%add3A_13, %dma_start3A_213] : memref<16384x32xf32, #tpu.memory_space<hbm>> -> memref<32x32xf32, #tpu.memory_space<hbm>>
        %dma_start3A_215 = arith.constant 0 : i32
        %dma_start3A_216 = tpu.memref_slice %arg7[%add3A_13, %dma_start3A_215] : memref<16384x32xf32, #tpu.memory_space<hbm>> -> memref<32x32xf32, #tpu.memory_space<hbm>>
        tpu.enqueue_dma source(%arg14 : memref<32x32xf32, #tpu.memory_space<vmem>>) target(%dma_start3A_216 : memref<32x32xf32, #tpu.memory_space<hbm>>) target_semaphore(%run_scoped3A : memref<!tpu.dma_semaphore, #tpu.memory_space<semaphore_mem>>)
        %dma_wait3A_217 = arith.constant 0 : i32
        %dma_wait3A_218 = tpu.memref_slice %arg7[%add3A_13, %dma_wait3A_217] : memref<16384x32xf32, #tpu.memory_space<hbm>> -> memref<32x32xf32, #tpu.memory_space<hbm>>
        %dma_wait3A_219 = arith.constant 0 : i32
        %dma_wait3A_220 = tpu.memref_slice %arg7[%add3A_13, %dma_wait3A_219] : memref<16384x32xf32, #tpu.memory_space<hbm>> -> memref<32x32xf32, #tpu.memory_space<hbm>>
        tpu.wait_dma2 semaphore(%run_scoped3A : memref<!tpu.dma_semaphore, #tpu.memory_space<semaphore_mem>>) src(%arg14 : memref<32x32xf32, #tpu.memory_space<vmem>>) dst(%dma_wait3A_220 : memref<32x32xf32, #tpu.memory_space<hbm>>)
        tpu.yield
      }) : () -> ()
      %scan3A_212 = arith.constant 0 : i32
      scf.yield %scan3A_212 : i32
    }
    %scan3A_6 = arith.constant 16 : i32
    return
  }
}

module attributes {stable_mosaic.version = 14 : i64} {
  func.func @body(%arg0: memref<4096x128xf32, #tpu.memory_space<vmem>>, %arg1: memref<1x1xf32, #tpu.memory_space<smem>>) attributes {dimension_semantics = [], scalar_prefetch = 0 : i64, scratch_operands = 0 : i64, tpu.core_type = #tpu.core_type<tc>} {
    %get3A = arith.constant 0 : index
    %get3A_0 = arith.constant 0 : index
    %get3A_1 = vector.load %arg0[%get3A, %get3A_0] : memref<4096x128xf32, #tpu.memory_space<vmem>>, vector<4096x128xf32>
    %iota3A = tpu.iota {dimensions = array<i32: 1>} : vector<4096x128xi32>
    %jit3A = arith.constant 32 : i32
    %eq3A = arith.constant 0 : i32
    %eq3A_2 = arith.cmpi eq, %jit3A, %eq3A : i32
    %jit3A_3 = arith.constant 1 : i32
    %select_n3A = arith.select %eq3A_2, %jit3A_3, %jit3A : i32
    %rem3A = vector.broadcast %select_n3A : i32 to vector<4096x128xi32>
    %rem3A_4 = arith.remsi %iota3A, %rem3A : vector<4096x128xi32>
    %ne3A = arith.constant 0 : i32
    %ne3A_5 = vector.broadcast %ne3A : i32 to vector<4096x128xi32>
    %ne3A_6 = arith.cmpi ne, %rem3A_4, %ne3A_5 : vector<4096x128xi32>
    %lt3A = arith.constant 0 : i32
    %lt3A_7 = vector.broadcast %lt3A : i32 to vector<4096x128xi32>
    %lt3A_8 = arith.cmpi slt, %rem3A_4, %lt3A_7 : vector<4096x128xi32>
    %lt3A_9 = arith.constant 0 : i32
    %lt3A_10 = arith.cmpi slt, %select_n3A, %lt3A_9 : i32
    %ne3A_11 = vector.broadcast %lt3A_10 : i1 to vector<4096x128xi1>
    %ne3A_12 = vector.broadcast %ne3A_11 : vector<4096x128xi1> to vector<4096x128xi1>
    %ne3A_13 = arith.xori %lt3A_8, %ne3A_12 : vector<4096x128xi1>
    %and3A = arith.andi %ne3A_13, %ne3A_6 : vector<4096x128xi1>
    %add3A = vector.broadcast %select_n3A : i32 to vector<4096x128xi32>
    %add3A_14 = arith.addi %rem3A_4, %add3A : vector<4096x128xi32>
    %select_n3A_15 = arith.select %and3A, %add3A_14, %rem3A_4 : vector<4096x128xi1>, vector<4096x128xi32>
    %eq3A_16 = arith.constant 0 : i32
    %eq3A_17 = vector.broadcast %eq3A_16 : i32 to vector<4096x128xi32>
    %eq3A_18 = arith.cmpi eq, %select_n3A_15, %eq3A_17 : vector<4096x128xi32>
    %neg3A = arith.constant 0.000000e+00 : f32
    %neg3A_19 = vector.broadcast %neg3A : f32 to vector<4096x128xf32>
    %neg3A_20 = arith.subf %neg3A_19, %get3A_1 : vector<4096x128xf32>
    %max3A = arith.constant 0.000000e+00 : f32
    %max3A_21 = vector.broadcast %max3A : f32 to vector<4096x128xf32>
    %max3A_22 = arith.maximumf %neg3A_20, %max3A_21 : vector<4096x128xf32>
    %abs3A = math.absf %neg3A_20 : vector<4096x128xf32>
    %neg3A_23 = arith.constant 0.000000e+00 : f32
    %neg3A_24 = vector.broadcast %neg3A_23 : f32 to vector<4096x128xf32>
    %neg3A_25 = arith.subf %neg3A_24, %abs3A : vector<4096x128xf32>
    %exp3A = math.exp %neg3A_25 : vector<4096x128xf32>
    %add3A_26 = arith.constant 1.000000e+00 : f32
    %add3A_27 = vector.broadcast %add3A_26 : f32 to vector<4096x128xf32>
    %add3A_28 = arith.addf %add3A_27, %exp3A : vector<4096x128xf32>
    %log3A = math.log %add3A_28 : vector<4096x128xf32>
    %add3A_29 = arith.addf %max3A_22, %log3A : vector<4096x128xf32>
    %jit3A_30 = arith.constant 0.000000e+00 : f32
    %broadcast_in_dim3A = vector.broadcast %jit3A_30 : f32 to vector<4096x128xf32>
    %select_n3A_31 = arith.select %eq3A_18, %add3A_29, %broadcast_in_dim3A : vector<4096x128xi1>, vector<4096x128xf32>
    %ge3A = arith.constant 1 : i32
    %ge3A_32 = vector.broadcast %ge3A : i32 to vector<4096x128xi32>
    %ge3A_33 = arith.cmpi sge, %select_n3A_15, %ge3A_32 : vector<4096x128xi32>
    %le3A = arith.constant 20 : i32
    %le3A_34 = vector.broadcast %le3A : i32 to vector<4096x128xi32>
    %le3A_35 = arith.cmpi sle, %select_n3A_15, %le3A_34 : vector<4096x128xi32>
    %and3A_36 = arith.andi %ge3A_33, %le3A_35 : vector<4096x128xi1>
    %max3A_37 = arith.constant 0.000000e+00 : f32
    %max3A_38 = vector.broadcast %max3A_37 : f32 to vector<4096x128xf32>
    %max3A_39 = arith.maximumf %get3A_1, %max3A_38 : vector<4096x128xf32>
    %abs3A_40 = math.absf %get3A_1 : vector<4096x128xf32>
    %neg3A_41 = arith.constant 0.000000e+00 : f32
    %neg3A_42 = vector.broadcast %neg3A_41 : f32 to vector<4096x128xf32>
    %neg3A_43 = arith.subf %neg3A_42, %abs3A_40 : vector<4096x128xf32>
    %exp3A_44 = math.exp %neg3A_43 : vector<4096x128xf32>
    %add3A_45 = arith.constant 1.000000e+00 : f32
    %add3A_46 = vector.broadcast %add3A_45 : f32 to vector<4096x128xf32>
    %add3A_47 = arith.addf %add3A_46, %exp3A_44 : vector<4096x128xf32>
    %log3A_48 = math.log %add3A_47 : vector<4096x128xf32>
    %add3A_49 = arith.addf %max3A_39, %log3A_48 : vector<4096x128xf32>
    %jit3A_50 = arith.constant 0.000000e+00 : f32
    %broadcast_in_dim3A_51 = vector.broadcast %jit3A_50 : f32 to vector<4096x128xf32>
    %select_n3A_52 = arith.select %and3A_36, %add3A_49, %broadcast_in_dim3A_51 : vector<4096x128xi1>, vector<4096x128xf32>
    %add3A_53 = arith.addf %select_n3A_31, %select_n3A_52 : vector<4096x128xf32>
    %reduce_sum3A = vector.shape_cast %add3A_53 : vector<4096x128xf32> to vector<1x4096x128xf32>
    %reduce_sum3A_54 = arith.constant dense<0.000000e+00> : vector<1xf32>
    %reduce_sum3A_55 = vector.multi_reduction <add>, %reduce_sum3A, %reduce_sum3A_54 [1, 2] : vector<1x4096x128xf32> to vector<1xf32>
    %reduce_sum3A_56 = vector.shape_cast %reduce_sum3A_55 : vector<1xf32> to vector<1x1x1xf32>
    %reduce_sum3A_57 = vector.extract %reduce_sum3A_56[0, 0, 0] : f32 from vector<1x1x1xf32>
    %mul3A = arith.constant 6.10351563E-5 : f32
    %mul3A_58 = arith.mulf %reduce_sum3A_57, %mul3A : f32
    %swap3A = arith.constant 0 : index
    %swap3A_59 = arith.constant 0 : index
    %swap3A_60 = memref.load %arg1[%swap3A, %swap3A_59] : memref<1x1xf32, #tpu.memory_space<smem>>
    memref.store %mul3A_58, %arg1[%swap3A, %swap3A_59] : memref<1x1xf32, #tpu.memory_space<smem>>
    return
  }
}

</mosaic_0001>

<sc_bundles>
// kernel: kernel.4.cloned.1.call-start
scs
__scs_entry_jumppad:
0x0: {  	(pc) =	sbr.rel $0x88, $3  }
0x1: {  	(tag) =	ssettag $0x0;
	lr =	simm.s32 $0x1  }
0x2: {  	[smem:$0x3F9C] =	sst lr;
	_ =	strace $0xD0000000  }
0x3: {  	_ = 	snop  }
0x4: {  	_ = 	snop  }
0x5: {  	_ = 	snop  }
0x6: {  	_ = 	snop  }
0x7: {  	_ = 	snop  }
__scs_overlays_trampoline_lowered:
0x8: {  	[smem:$0x3FAB] =	sst s0  }
0x9: {  	[smem:$0x3FAC] =	sst s1  }
0xa: {  	[smem:$0x3FAD] =	sst s2  }
0xb: {  	[smem:$0x3FAE] =	sst s3  }
0xc: {  	[smem:$0x3FAF] =	sst s4  }
0xd: {  	[smem:$0x3FB0] =	sst s5  }
0xe: {  	[smem:$0x3FB1] =	sst s6  }
0xf: {  	[smem:$0x3FB2] =	sst s7  }
0x10: {  	[smem:$0x3FB3] =	sst s8  }
0x11: {  	[smem:$0x3FB4] =	sst s9;
	s0 =	simm.s32 @!p0 $0x0  }
0x12: {  	s1 =	sld [smem:$0x3F9A];
	s0 =	simm.s32 @p0 $0x1  }
0x13: {  	[smem:$0x3FB5] =	sst s0;
	s0 =	simm.s32 @!p1 $0x0  }
0x14: {  	s2 =	sld [smem:$0x3F99];
	s0 =	simm.s32 @p1 $0x1  }
0x15: {  	[smem:$0x3FB6] =	sst s0;
	s0 =	simm.s32 @!p2 $0x0  }
0x16: {  	s3 =	sld [smem:$0x3FDB];
	s0 =	simm.s32 @p2 $0x1  }
0x17: {  	s4 =	simm.s32 $0x1BF5;
	[smem:$0x3FB8] =	sst s0  }
0x18: {  	s0 =	sld [smem:$0x3F9B];
	_ =	swait.ge [sflag:s4], $0x0  }
0x19: {  	s7 =	sld [smem:$0x3F9C]  }
0x1a: {  	s8 =	sadd.s32 $0xFFFFE003, lr  }
0x1b: {  	s9 =	sadd.s32 $0xFFFFFEF7, lr;
	s5 =	simm.s32 $0xFFFFFFFF;
	p2 =	slt.u32 s8, $0xFFFFF086  }
0x1c: {  	p1 =	slt.u32 s9, $0xF7A;
	s5 =	simm.s32 @!p2 $0x0  }
0x1d: {  	s5 =	simm.s32 @p1 $0x1;
	p0 =	seq.s32 s7, s2  }
0x1e: {  	s7 =	smul.u32 @!p0 $0xF7A, s2;
	p2 =	seq.s32 @!p0 s5, $0x0  }
0x1f: {  	s9 =	smul.u32 $0xF7A, s1;
	s8 =	simm.s32 @!p0 $0x1BF5;
	p2 =	por !p2, p0  }
0x20: {  	[sflag:s8] =	ssyncset.s32 @!p0 $0xFFFFF086;
	s6 =	sadd.s32 @!p0 s3, s7;
	s7 =	simm.s32 @!p0 $0x108  }
0x21: {  	s3 =	sadd.s32 s3, s9;
	s6 =	sadd.s32 @!p0 $0x88, s6;
	s7 =	simm.s32 @p2 $0x1082  }
0x22: {  	[simem:s7], [sflag:s8] =	dma.local @!p0 [hbm:s6], $0xF7A  }
0x23: {  	s9 =	sor.u32 $0xD0000000, s2;
	s6 =	simm.s32 $0x108;
	_ =	swait.ge @!p0 [sflag:s8], $0x0  }
0x24: {  	s3 =	sadd.s32 $0x88, s3;
	s6 =	simm.s32 @!p1 $0x1082;
	[sflag:s4] =	ssyncset.s32 $0xFFFFF086  }
0x25: {  	[simem:s6], [sflag:s4] =	dma.local [hbm:s3], $0xF7A  }
0x26: {  	[smem:$0x3F9C] =	sst s1;
	(tag) =	ssettag s2;
	_ =	strace s9  }
0x27: {  	s1 =	sld [smem:$0x3FAC]  }
0x28: {  	s2 =	sld [smem:$0x3FAD]  }
0x29: {  	s4 =	sld [smem:$0x3FAF]  }
0x2a: {  	p0 =	seq.s32 s5, $0x0;
	s5 =	sld [smem:$0x3FB0]  }
0x2b: {  	s6 =	sld [smem:$0x3FB1]  }
0x2c: {  	s7 =	sld [smem:$0x3FB2]  }
0x2d: {  	s3 =	simm.s32 $0x108;
	s8 =	sld [smem:$0x3FB3]  }
0x2e: {  	s3 =	simm.s32 @!p0 $0x1082;
	s9 =	sld [smem:$0x3FB4]  }
0x2f: {  	lr =	sadd.s32 s0, s3;
	s0 =	sld [smem:$0x3FAB]  }
0x30: {  	s3 =	sld [smem:$0x3FAE]  }
0x31: {  	[smem:$0x3FB7] =	sst s10  }
0x32: {  	s10 =	sld [smem:$0x3FB5];
	_ =	sdelay $0x3  }
0x33: {  	p0 =	seq.s32 s10, $0x1;
	s10 =	sld [smem:$0x3FB7];
	_ =	sdelay $0x3  }
0x34: {  	[smem:$0x3FB7] =	sst s10  }
0x35: {  	s10 =	sld [smem:$0x3FB6];
	_ =	sdelay $0x3  }
0x36: {  	p1 =	seq.s32 s10, $0x1;
	s10 =	sld [smem:$0x3FB7];
	_ =	sdelay $0x3  }
0x37: {  	[smem:$0x3FB7] =	sst s10  }
0x38: {  	s10 =	sld [smem:$0x3FB8]  }
0x39: {  	_ = 	snop;
	(pc) =	sbr.ind lr, $3  }
0x3a: {  	_ = 	snop  }
0x3b: {  	_ = 	snop  }
0x3c: {  	p2 =	seq.s32 s10, $0x1;
	s10 =	sld [smem:$0x3FB7]  }
0x3d: {  	_ =	shalt  }
0x3e: {  	_ =	shalt  }
0x3f: {  	_ =	shalt  }
0x40: {  	_ =	shalt  }
0x41: {  	_ =	shalt  }
0x42: {  	_ =	shalt  }
0x43: {  	_ =	shalt  }
0x44: {  	_ =	shalt  }
0x45: {  	_ =	shalt  }
0x46: {  	_ =	shalt  }
0x47: {  	_ =	shalt  }
0x48: {  	_ =	shalt  }
0x49: {  	_ =	shalt  }
0x4a: {  	_ =	shalt  }
0x4b: {  	_ =	shalt  }
0x4c: {  	_ =	shalt  }
0x4d: {  	_ =	shalt  }
0x4e: {  	_ =	shalt  }
0x4f: {  	_ =	shalt  }
0x50: {  	_ =	shalt  }
0x51: {  	_ =	shalt  }
0x52: {  	_ =	shalt  }
0x53: {  	_ =	shalt  }
0x54: {  	_ =	shalt  }
0x55: {  	_ =	shalt  }
0x56: {  	_ =	shalt  }
0x57: {  	_ =	shalt  }
0x58: {  	_ =	shalt  }
0x59: {  	_ =	shalt  }
0x5a: {  	_ =	shalt  }
0x5b: {  	_ =	shalt  }
0x5c: {  	_ =	shalt  }
0x5d: {  	_ =	shalt  }
0x5e: {  	_ =	shalt  }
0x5f: {  	_ =	shalt  }
0x60: {  	_ =	shalt  }
0x61: {  	_ =	shalt  }
0x62: {  	_ =	shalt  }
0x63: {  	_ =	shalt  }
0x64: {  	_ =	shalt  }
0x65: {  	_ =	shalt  }
0x66: {  	_ =	shalt  }
0x67: {  	_ =	shalt  }
0x68: {  	_ =	shalt  }
0x69: {  	_ =	shalt  }
0x6a: {  	_ =	shalt  }
0x6b: {  	_ =	shalt  }
0x6c: {  	_ =	shalt  }
0x6d: {  	_ =	shalt  }
0x6e: {  	_ =	shalt  }
0x6f: {  	_ =	shalt  }
0x70: {  	_ =	shalt  }
0x71: {  	_ =	shalt  }
0x72: {  	_ =	shalt  }
0x73: {  	_ =	shalt  }
0x74: {  	_ =	shalt  }
0x75: {  	_ =	shalt  }
0x76: {  	_ =	shalt  }
0x77: {  	_ =	shalt  }
0x78: {  	_ =	shalt  }
0x79: {  	_ =	shalt  }
0x7a: {  	_ =	shalt  }
0x7b: {  	_ =	shalt  }
0x7c: {  	_ =	shalt  }
0x7d: {  	_ =	shalt  }
0x7e: {  	_ =	shalt  }
0x7f: {  	_ =	shalt  }
0x80: {  	_ =	shalt  }
0x81: {  	_ =	shalt  }
0x82: {  	_ =	shalt  }
0x83: {  	_ =	shalt  }
0x84: {  	_ =	shalt  }
0x85: {  	_ =	shalt  }
0x86: {  	_ =	shalt  }
0x87: {  	_ =	shalt  }
.Lfunc_end0:
.L_simem_size_0:
called_computation_lowered:
.L_overlay_start_0:
0x88: {  	s2 =	sld [smem:$0x3FD9]  }
0x89: {  	s3 =	sld [smem:$0x3FFE];
	_ =	sdelay $0x1  }
0x8a: {  	s1 =	srdreg.scid  }
0x8b: {  	s0 =	sand.u32 $0x1, s1  }
0x8c: {  	s17 =	sshll.u32 s0, $0xA;
	s2 =	sadd.s32 s3, s2  }
0x8d: {  	s2 =	sadd.s32 s2, s17  }
0x8e: {  	[smem:$0x3FC3] =	sst s2  }
0x8f: {  	_ = 	snop  }
0x90: {  	s2 =	sld [smem:$0x3FC8];
	(tm) =	ssettm $0x1  }
0x91: {  	s18 =	sld [smem:$0x3FFB];
	_ =	sdelay $0x3  }
0x92: {  	_ =	strace s18  }
0x93: {  	s3 =	sld [smem:$0x3FFC];
	_ =	sdelay $0x3  }
0x94: {  	_ =	strace s3  }
0x95: {  	s3 =	sld [smem:$0x3FFD];
	_ =	sdelay $0x3  }
0x96: {  	_ =	strace s3  }
0x97: {  	_ =	strace $0x8FFFFFFF  }
0x98: {  	s19 =	sld [smem:$0x3FDB];
	_ =	sdelay $0x1  }
0x99: {  	s4 =	simm.s32 $_scs_section_size  }
0x9a: {  	s5 =	simm.s32 $_size__tile_overlayer_lowered;
	s6 =	simm.s32 $_tile_overlayer_lowered  }
0x9b: {  	s22 =	simm.s32 $0x1BFF;
	s21 =	sshll.u32 s6, $0x1;
	s3 =	sadd.s32 s4, s19  }
0x9c: {  	s7 =	simm.s32 $0x0;
	s20 =	sshll.u32 s5, $0x1;
	s5 =	sadd.s32 s21, s3  }
0x9d: {  	[timem:s7], [sflag:s22] =	dma.local [hbm:s5], s20  }
0x9e: {  	_ =	swait.ge [sflag:s22], s20  }
0x9f: {  	s4 =	ssub.s32 $0x0, s20;
	[sflag:s22] =	ssyncset.done $0x0  }
0xa0: {  	[sflag:s22] =	ssyncadd.s32 s4;
	_ =	sdelay $0x1  }
0xa1: {  	s23 =	simm.s32 $0x1B8B  }
0xa2: {  	_ =	swait.ge [sflag:s23], $0x1  }
0xa3: {  	[sflag:s23] =	ssyncset.done $0x0  }
0xa4: {  	s25 =	simm.s32 $0x1B8E;
	s24 =	sld [smem:$0x3FFE];
	[sflag:s23] =	ssyncadd.s32 $0xFFFFFFFF  }
0xa5: {  	s26 =	simm.s32 $execute0_lowered;
	[smem:$0x3FD2] =	sst s25  }
0xa6: {  	s5 =	sshll.u32 s26, $0x1;
	_ =	strace $0x80000046;
	[dreg:$0x1] =	wrdreg $0xFFFFFFFF  }
0xa7: {  	s28 =	simm.s32 $_size_execute0_lowered;
	s3 =	sadd.s32 s3, s5;
	[dreg:$0x0] =	wrdreg $0x0  }
0xa8: {  	s5 =	sshll.u32 s28, $0x1;
	[dreg:$0x2] =	wrdreg s3  }
0xa9: {  	[dreg:$0x3] =	wrdreg s5  }
0xaa: {  	[dreg:$0x4] =	wrdreg $0xC0  }
0xab: {  	_ =	task [dreg:s7], $0x5FFFF  }
0xac: {  	[dreg:$0x1] =	wrdreg $0xFFFFFFFF  }
0xad: {  	[dreg:$0x0] =	wrdreg $0x60  }
0xae: {  	[dreg:$0x2] =	wrdreg s24  }
0xaf: {  	[dreg:$0x3] =	wrdreg s2  }
0xb0: {  	[dreg:$0x4] =	wrdreg $0x9  }
0xb1: {  	_ =	task.clear_ibuf [dreg:s7], $0x5FFFF;
	_ =	strace $0x90000046  }
0xb2: {  	s29 =	simm.s32 $0x9;
	_ =	strace $0x80000048  }
0xb3: {  	_ =	swait.ge [sflag:s29], $0x1  }
0xb4: {  	[sflag:s29] =	ssyncadd.s32 $0xFFFFFFFF  }
0xb5: {  	_ =	strace $0x90000048  }
0xb6: {  	_ =	sfence  }
0xb7: {  	s30 =	sld [smem:$0x0];
	_ =	sdelay $0x2  }
0xb8: {  	s31 =	sshll.u32 s1, $0xD;
	s1 =	sshrl.u32 s1, $0x2  }
0xb9: {  	s3 =	sand.u32 $0x4000, s31;
	s1 =	sadd.s32 s1, s30  }
0xba: {  	s0 =	sor.u32 s3, s0;
	s1 =	sshll.u32 s1, $0x11  }
0xbb: {  	s0 =	sor.u32 s1, s0  }
0xbc: {  	s0 =	sadd.s32 $0x8F2B, s0  }
0xbd: {  	[sflag:s0] =	ssyncadd.remote.s32 $0x1  }
0xbe: {  	_ =	sfence.sel $0xFFFF  }
0xbf: {  	[dreg:$0x0] =	wrdreg $0xFFFFFFFF;
	(pc) =	sbr.abs _section_cstart, $3  }
0xc0: {  	[dreg:$0x1] =	wrdreg $0xFFFFFFFF  }
0xc1: {  	_ =	task.clear_ibuf [dreg:s7], $0x2FFFF;
	_ =	strace $0x9FFFFFFF  }
0xc2: {  	(tm) =	ssettm $0x7FFFFFFF  }
0xc3: {  	_ =	shalt  }
tec
execute0_lowered:
.L_overlay_start_1:
0x0: {  	(tag) =	ssettag $0x1  }
0x1: {  	v0 =	vimm.s32 $0xFEDCBA98;
	v1 =	vimm.s32 $0x76543210  }
0x2: {  	v2 =	vimm.s32 $0x3210FEDC;
	v3 =	vimm.s32 $0xBA987654;
	v4 =	vimm.s32 $0x10FEDCBA  }
0x3: {  	v5 =	vimm.s32 $0x98765432;
	v6 =	vimm.s32 $0xFEDCBA9;
	v7 =	vimm.s32 $0x87654321  }
0x4: {  	s0 =	rddreg [dreg:$0x0];
	s2 =	simm.s32 $0x0;
	s1 =	srdreg.scid;
	vm0 =	vmmov $0x1;
	vm1 =	vmmov $0x3;
	vm2 =	vmmov $0x7  }
0x5: {  	s8 =	stileid.u32;
	s11 =	simm.s32 $0x2;
	s12 =	simm.s32 $0x280;
	vm3 =	vmmov $0xf;
	vm4 =	vmmov $0x1f;
	vm5 =	vmmov $0x3f  }
0x6: {  	s13 =	simm.s32 $0x500;
	s14 =	simm.s32 $0x80;
	s22 =	simm.s32 $0x8520;
	vm6 =	vmmov $0x7f;
	vm7 =	vmmov $0xff;
	vm8 =	vmmov $0x1ff  }
0x7: {  	s23 =	simm.s32 $0xA520;
	s24 =	simm.s32 $0x300;
	s25 =	simm.s32 $0xC520;
	vm9 =	vmmov $0x3ff;
	vm10 =	vmmov $0x7ff;
	vm11 =	vmmov $0xfff  }
0x8: {  	s28 =	simm.s32 $0xE520;
	s29 =	simm.s32 $0x400;
	s30 =	simm.s32 $0x10520;
	v0 =	vunpack.c.l.s4.s8 v0;
	v1 =	vunpack.c.l.s4.s8 v1;
	v2 =	vunpack.c.l.s4.s8 v2  }
0x9: {  	s31 =	simm.s32 $0x480;
	s15 =	simm.s32 $0x14D20;
	s17 =	simm.s32 $0x0;
	v3 =	vunpack.c.l.s4.s8 v3;
	v4 =	vunpack.c.l.s4.s8 v4;
	v5 =	vunpack.c.l.s4.s8 v5  }
0xa: {  	[smem:$0x7FF] =	sst s2;
	s3 =	sadd.s32 $0xAA00, s0;
	s4 =	sadd.s32 $0xA00, s0;
	v6 =	vunpack.c.l.s4.s8 v6;
	v7 =	vunpack.c.l.s4.s8 v7;
	v0 =	vunpack.c.0.s8.s32 v0  }
0xb: {  	s5 =	sadd.s32 $0x16E4000, s0;
	s1 =	sand.u32 $0x1, s1;
	s7 =	sadd.s32 $0xF42E00, s0;
	v2 =	vunpack.c.0.s8.s32 v2;
	v3 =	vunpack.c.0.s8.s32 v3;
	v4 =	vunpack.c.0.s8.s32 v4  }
0xc: {  	s10 =	sshll.u32 s8, $0xA;
	s8 =	sadd.s32 $0x14A00, s0;
	s6 =	ssub.s32 $0x2, s1;
	v5 =	vunpack.c.0.s8.s32 v5;
	v6 =	vunpack.c.0.s8.s32 v6;
	v7 =	vunpack.c.0.s8.s32 v7  }
0xd: {  	vm12 =	vmmov $0x1fff;
	_ =	strace $0x80000047;
	s1 =	sshll.u32 s1, $0x9;
	s9 =	sshrl.u32 s6, $0x1;
	v1 =	vunpack.c.0.s8.s32 v1;
	v2 =	vcombine.low v3, v2  }
0xe: {  	s26 =	ssub.s32 s6, s9;
	s9 =	sor.u32 s1, s10;
	s6 =	simm.s32 $0x20;
	v3 =	vcombine.low v5, v4;
	v4 =	vcombine.low v7, v6;
	v0 =	vand.u32 $0xF, v0  }
0xf: {  	vm13 =	vmmov $0x3fff;
	vm14 =	vmmov $0x7fff;
	s10 =	simm.s32 $0x14520;
	s1 =	simm.s32 $0x1;
	s0 =	smax.u32 s26, $0x1;
	v0 =	vcombine.low v0, v1  }
0x10: {  	s26 =	simm.s32 $0x380;
	[dreg:$0x3] =	wrdreg s0;
	s0 =	simm.s32 $0x12520;
	v1 =	vand.u32 $0xF, v2;
	v2 =	vand.u32 $0xF, v3;
	v3 =	vand.u32 $0xF, v4  }
.LBB2_1:
0x11: {  	[dreg:$0x4] =	wrdreg s17;
	s16 =	simm.s32 $0x0  }
.LBB2_2:
0x12: {  	s17 =	sshll.u32 s16, $0x5  }
0x13: {  	s17 =	sadd.s32 s9, s17  }
0x14: {  	s18 =	smul.u32 $0x14, s17;
	_ =	sdelay $0x1  }
0x15: {  	s18 =	sshrl.u32 s18, $0x3  }
0x16: {  	s19 =	sadd.s32 s3, s18  }
0x17: {  	[tilespmem:s2], [sflag:$0x2] =	stream.linear.gather [hbm4b:s19+s2], $0x280, $0x38;
	[tilespmem:$0x15120] =	vst v63  }
0x18: {  	_ =	swait.ge [sflag:s11], $0x280  }
0x19: {  	[sflag:s11] =	ssyncset.done $0x0  }
0x1a: {  	s18 =	sadd.s32 s4, s18;
	[sflag:s11] =	ssyncadd.s32 $0xFFFFFD80  }
0x1b: {  	[tilespmem:s12], [sflag:$0x2] =	stream.linear.gather [hbm4b:s18+s2], $0x280, $0x38;
	[tilespmem:$0x15120] =	vst v63  }
0x1c: {  	_ =	swait.ge [sflag:s11], $0x280  }
0x1d: {  	[sflag:s11] =	ssyncset.done $0x0  }
0x1e: {  	[sflag:s11] =	ssyncadd.s32 $0xFFFFFD80  }
0x1f: {  	s19 =	sshrl.u32 s17, $0x3;
	s20 =	rddreg [dreg:$0x1]  }
0x20: {  	s18 =	sadd.s32 s20, s19  }
0x21: {  	[tilespmem:s13], [sflag:$0x2] =	stream.linear.gather [hbm4b:s18+s2], $0x20, $0x38;
	[tilespmem:$0x15120] =	vst v63  }
0x22: {  	_ =	swait.ge [sflag:s11], $0x20  }
0x23: {  	[sflag:s11] =	ssyncset.done $0x0  }
0x24: {  	s21 =	simm.s32 $0x520;
	[sflag:s11] =	ssyncadd.s32 $0xFFFFFFE0  }
0x25: {  	[tilespmem:s21], [sflag:$0x1] =	stream.indirect.gather [hbm4b:s5+s14], $0x40, s2, s14, $0xb8;
	[tilespmem:$0x15120] =	vst v63  }
0x26: {  	s19 =	simm.s32 $0x2520  }
0x27: {  	[tilespmem:s19], [sflag:$0x1] =	stream.indirect.gather [hbm4b:s5+s14], $0x40, s14, s14, $0xb8;
	[tilespmem:$0x15120] =	vst v63  }
0x28: {  	s20 =	simm.s32 $0x100;
	s21 =	simm.s32 $0x4520  }
0x29: {  	[tilespmem:s21], [sflag:$0x1] =	stream.indirect.gather [hbm4b:s5+s14], $0x40, s20, s14, $0xb8;
	[tilespmem:$0x15120] =	vst v63  }
0x2a: {  	s19 =	simm.s32 $0x180;
	s20 =	simm.s32 $0x6520  }
0x2b: {  	[tilespmem:s20], [sflag:$0x1] =	stream.indirect.gather [hbm4b:s5+s14], $0x40, s19, s14, $0xb8;
	[tilespmem:$0x15120] =	vst v63  }
0x2c: {  	s21 =	simm.s32 $0x200  }
0x2d: {  	[tilespmem:s22], [sflag:$0x1] =	stream.indirect.gather [hbm4b:s5+s14], $0x40, s21, s14, $0xb8;
	[tilespmem:$0x15120] =	vst v63  }
0x2e: {  	_ = 	snop  }
0x2f: {  	[tilespmem:s23], [sflag:$0x1] =	stream.indirect.gather [hbm4b:s7+s14], $0x40, s12, s14, $0xb8;
	[tilespmem:$0x15120] =	vst v63  }
0x30: {  	_ = 	snop  }
0x31: {  	[tilespmem:s25], [sflag:$0x1] =	stream.indirect.gather [hbm4b:s7+s14], $0x40, s24, s14, $0xb8;
	[tilespmem:$0x15120] =	vst v63  }
0x32: {  	_ = 	snop  }
0x33: {  	[tilespmem:s28], [sflag:$0x1] =	stream.indirect.gather [hbm4b:s7+s14], $0x40, s26, s14, $0xb8;
	[tilespmem:$0x15120] =	vst v63  }
0x34: {  	_ = 	snop  }
0x35: {  	[tilespmem:s30], [sflag:$0x1] =	stream.indirect.gather [hbm4b:s7+s14], $0x40, s29, s14, $0xb8;
	[tilespmem:$0x15120] =	vst v63  }
0x36: {  	_ = 	snop  }
0x37: {  	[tilespmem:s0], [sflag:$0x1] =	stream.indirect.gather [hbm4b:s7+s14], $0x40, s31, s14, $0xb8;
	[tilespmem:$0x15120] =	vst v63  }
0x38: {  	_ = 	snop  }
0x39: {  	[tilespmem:s10], [sflag:$0x1] =	stream.indirect.gather [hbm4b:s7+s6], $0x40, s13, s6, $0xb8;
	[tilespmem:$0x15120] =	vst v63  }
0x3a: {  	_ =	swait.ge [sflag:s1], $0x2000  }
0x3b: {  	[sflag:s1] =	ssyncset.done $0x0  }
0x3c: {  	[sflag:s1] =	ssyncadd.s32 $0xFFFFE000  }
0x3d: {  	_ =	swait.ge [sflag:s1], $0x2000  }
0x3e: {  	[sflag:s1] =	ssyncset.done $0x0  }
0x3f: {  	[sflag:s1] =	ssyncadd.s32 $0xFFFFE000  }
0x40: {  	_ =	swait.ge [sflag:s1], $0x2000  }
0x41: {  	[sflag:s1] =	ssyncset.done $0x0  }
0x42: {  	[sflag:s1] =	ssyncadd.s32 $0xFFFFE000  }
0x43: {  	_ =	swait.ge [sflag:s1], $0x2000  }
0x44: {  	[sflag:s1] =	ssyncset.done $0x0  }
0x45: {  	[sflag:s1] =	ssyncadd.s32 $0xFFFFE000  }
0x46: {  	_ =	swait.ge [sflag:s1], $0x2000  }
0x47: {  	[sflag:s1] =	ssyncset.done $0x0  }
0x48: {  	[sflag:s1] =	ssyncadd.s32 $0xFFFFE000  }
0x49: {  	_ =	swait.ge [sflag:s1], $0x2000  }
0x4a: {  	[sflag:s1] =	ssyncset.done $0x0  }
0x4b: {  	[sflag:s1] =	ssyncadd.s32 $0xFFFFE000  }
0x4c: {  	_ =	swait.ge [sflag:s1], $0x2000  }
0x4d: {  	[sflag:s1] =	ssyncset.done $0x0  }
0x4e: {  	[sflag:s1] =	ssyncadd.s32 $0xFFFFE000  }
0x4f: {  	_ =	swait.ge [sflag:s1], $0x2000  }
0x50: {  	[sflag:s1] =	ssyncset.done $0x0  }
0x51: {  	[sflag:s1] =	ssyncadd.s32 $0xFFFFE000  }
0x52: {  	_ =	swait.ge [sflag:s1], $0x2000  }
0x53: {  	[sflag:s1] =	ssyncset.done $0x0  }
0x54: {  	[sflag:s1] =	ssyncadd.s32 $0xFFFFE000  }
0x55: {  	_ =	swait.ge [sflag:s1], $0x2000  }
0x56: {  	[sflag:s1] =	ssyncset.done $0x0  }
0x57: {  	[sflag:s1] =	ssyncadd.s32 $0xFFFFE000  }
0x58: {  	_ =	swait.ge [sflag:s1], $0x800  }
0x59: {  	s18 =	simm.s32 $0x13C0;
	[sflag:s1] =	ssyncset.done $0x0  }
0x5a: {  	s19 =	simm.s32 $0x14D30;
	s20 =	simm.s32 $0x14540;
	[sflag:s1] =	ssyncadd.s32 $0xFFFFF800  }
.LBB2_3:
0x5b: {  	s21 =	sshra.s32 s18, $0x2  }
0x5c: {  	v4 =	vld [tilespmem:s21+$0x30]  }
0x5d: {  	v5 =	vld [tilespmem:s21+$0x40]  }
0x5e: {  	v6 =	vld [tilespmem:s21+$0x50]  }
0x5f: {  	v7 =	vld [tilespmem:s21+$0x60]  }
0x60: {  	v8 =	vld [tilespmem:s21+$0x70]  }
0x61: {  	v9 =	vld [tilespmem:s21+$0x80]  }
0x62: {  	v10 =	vld [tilespmem:s21+$0x90]  }
0x63: {  	v11 =	vld [tilespmem:s21+$0xA0]  }
0x64: {  	v12 =	vld [tilespmem:s21+$0xB0]  }
0x65: {  	v13 =	vld [tilespmem:s21+$0xC0]  }
0x66: {  	v14 =	vld [tilespmem:s21+$0xD0]  }
0x67: {  	v15 =	vld [tilespmem:s21+$0xE0]  }
0x68: {  	v16 =	vld [tilespmem:s21+$0xF0]  }
0x69: {  	v17 =	vld [tilespmem:s21+$0x100]  }
0x6a: {  	v18 =	vld [tilespmem:s21+$0x110]  }
0x6b: {  	v19 =	vld [tilespmem:s21+$0x120]  }
0x6c: {  	v20 =	vld [tilespmem:s21+$0x130]  }
0x6d: {  	v21 =	vld [tilespmem:s21+$0x140]  }
0x6e: {  	v22 =	vld [tilespmem:s21+$0x150]  }
0x6f: {  	v23 =	vld [tilespmem:s21+$0x160]  }
0x70: {  	v24 =	vld [tilespmem:s21+$0x170]  }
0x71: {  	v25 =	vld [tilespmem:s21+$0x180]  }
0x72: {  	v26 =	vld [tilespmem:s21+$0x190]  }
0x73: {  	v27 =	vld [tilespmem:s21+$0x1A0]  }
0x74: {  	v28 =	vld [tilespmem:s21+$0x1B0]  }
0x75: {  	v29 =	vld [tilespmem:s21+$0x1C0]  }
0x76: {  	v30 =	vld [tilespmem:s21+$0x1D0]  }
0x77: {  	v31 =	vld [tilespmem:s21+$0x1E0]  }
0x78: {  	v32 =	vld [tilespmem:s21+$0x1F0]  }
0x79: {  	v33 =	vld [tilespmem:s21+$0x200]  }
0x7a: {  	v34 =	vld [tilespmem:s21+$0x210]  }
0x7b: {  	v35 =	vld [tilespmem:s21+$0x220]  }
0x7c: {  	v36 =	vld [tilespmem:s21+$0x230]  }
0x7d: {  	v37 =	vld [tilespmem:s21+$0x240]  }
0x7e: {  	v38 =	vld [tilespmem:s21+$0x250]  }
0x7f: {  	v39 =	vld [tilespmem:s21+$0x260]  }
0x80: {  	v40 =	vld [tilespmem:s21+$0x270]  }
0x81: {  	v41 =	vld [tilespmem:s21+$0x280]  }
0x82: {  	v42 =	vld [tilespmem:s21+$0x290]  }
0x83: {  	v43 =	vld [tilespmem:s21+$0x2A0]  }
0x84: {  	v44 =	vld [tilespmem:s21+$0x2B0]  }
0x85: {  	v45 =	vld [tilespmem:s21+$0x2C0]  }
0x86: {  	v46 =	vld [tilespmem:s21+$0x2D0]  }
0x87: {  	v47 =	vld [tilespmem:s21+$0x2E0]  }
0x88: {  	v48 =	vld [tilespmem:s21+$0x2F0]  }
0x89: {  	v49 =	vld [tilespmem:s21+$0x300]  }
0x8a: {  	v50 =	vld [tilespmem:s21+$0x310]  }
0x8b: {  	v51 =	vld [tilespmem:s21+$0x320]  }
0x8c: {  	v52 =	vld [tilespmem:s21+$0x330]  }
0x8d: {  	v57 =	vld [tilespmem:s21+$0x340]  }
0x8e: {  	v58 =	vld [tilespmem:s21+$0x350]  }
0x8f: {  	v59 =	vld [tilespmem:s21+$0x380]  }
0x90: {  	v60 =	vld [tilespmem:s21+$0x390]  }
0x91: {  	v61 =	vld [tilespmem:s21+$0x3C0]  }
0x92: {  	v62 =	vld [tilespmem:s21+$0x3D0]  }
0x93: {  	v63 =	vld [tilespmem:s21+$0x3F0]  }
0x94: {  	v53 =	vld [tilespmem:s21+$0x460]  }
0x95: {  	v54 =	vld [tilespmem:s21+$0x470];
	v4 =	vadd.f32 v8, v4;
	v5 =	vadd.f32 v9, v5  }
0x96: {  	v55 =	vld [tilespmem:s21+$0x480];
	v6 =	vadd.f32 v10, v6;
	v7 =	vadd.f32 v11, v7  }
0x97: {  	v56 =	vld [tilespmem:s21+$0x490];
	v4 =	vadd.f32 v12, v4;
	v5 =	vadd.f32 v13, v5  }
0x98: {  	v10 =	vld [tilespmem:s21+$0x360];
	v6 =	vadd.f32 v14, v6;
	v7 =	vadd.f32 v15, v7  }
0x99: {  	v11 =	vld [tilespmem:s21+$0x370];
	v4 =	vadd.f32 v16, v4;
	v5 =	vadd.f32 v17, v5  }
0x9a: {  	v14 =	vld [tilespmem:s21+$0x3A0];
	v6 =	vadd.f32 v18, v6;
	v7 =	vadd.f32 v19, v7  }
0x9b: {  	v15 =	vld [tilespmem:s21+$0x3B0];
	v4 =	vadd.f32 v20, v4;
	v5 =	vadd.f32 v21, v5  }
0x9c: {  	v18 =	vld [tilespmem:s21+$0x3E0];
	v6 =	vadd.f32 v22, v6;
	v7 =	vadd.f32 v23, v7  }
0x9d: {  	v21 =	vld [tilespmem:s21+$0x510];
	v4 =	vadd.f32 v24, v4;
	v5 =	vadd.f32 v25, v5  }
0x9e: {  	v6 =	vadd.f32 v26, v6;
	v7 =	vadd.f32 v27, v7;
	v24 =	vld [tilespmem:s21+$0x520]  }
0x9f: {  	v27 =	vld [tilespmem:s21+$0xA140];
	v4 =	vadd.f32 v28, v4;
	v5 =	vadd.f32 v29, v5  }
0xa0: {  	v6 =	vadd.f32 v30, v6;
	v7 =	vadd.f32 v31, v7;
	v30 =	vld [tilespmem:s20+$0xFFFFFFE0]  }
0xa1: {  	v31 =	vld [tilespmem:s20+$0xFFFFFFF0];
	v4 =	vadd.f32 v32, v4;
	v5 =	vadd.f32 v33, v5  }
0xa2: {  	v33 =	vld [tilespmem:s21+$0x400];
	v6 =	vadd.f32 v34, v6  }
0xa3: {  	v34 =	vld [tilespmem:s21+$0x410];
	v4 =	vadd.f32 v36, v4;
	v5 =	vadd.f32 v37, v5  }
0xa4: {  	v7 =	vadd.f32 v35, v7;
	v32 =	vld [tilespmem:s20+$0x0];
	v6 =	vadd.f32 v38, v6  }
0xa5: {  	v35 =	vld [tilespmem:s21+$0xA040];
	v4 =	vadd.f32 v40, v4;
	v5 =	vadd.f32 v41, v5  }
0xa6: {  	v37 =	vld [tilespmem:s21+$0x420];
	v7 =	vadd.f32 v39, v7;
	v6 =	vadd.f32 v42, v6  }
0xa7: {  	v38 =	vld [tilespmem:s21+$0x430];
	v4 =	vadd.f32 v44, v4;
	v5 =	vadd.f32 v45, v5  }
0xa8: {  	v39 =	vld [tilespmem:s21+$0xA080];
	v7 =	vadd.f32 v43, v7;
	v6 =	vadd.f32 v46, v6  }
0xa9: {  	v41 =	vld [tilespmem:s21+$0x440];
	v4 =	vadd.f32 v48, v4;
	v5 =	vadd.f32 v49, v5  }
0xaa: {  	v42 =	vld [tilespmem:s21+$0x450];
	v7 =	vadd.f32 v47, v7;
	v6 =	vadd.f32 v50, v6  }
0xab: {  	v43 =	vld [tilespmem:s21+$0xA090];
	v4 =	vadd.f32 v52, v4;
	v5 =	vadd.f32 v57, v5  }
0xac: {  	v46 =	vld [tilespmem:s21+$0xA0A0];
	v7 =	vadd.f32 v51, v7;
	v6 =	vadd.f32 v58, v6  }
0xad: {  	v47 =	vld [tilespmem:s21+$0xA0B0];
	v4 =	vadd.f32 v11, v4;
	v5 =	vadd.f32 v59, v5  }
0xae: {  	v50 =	vld [tilespmem:s21+$0xA0C0];
	v7 =	vadd.f32 v10, v7;
	v6 =	vadd.f32 v60, v6  }
0xaf: {  	v57 =	vld [tilespmem:s21+$0x4A0];
	v4 =	vadd.f32 v15, v4;
	v5 =	vadd.f32 v61, v5  }
0xb0: {  	v58 =	vld [tilespmem:s21+$0x4B0];
	v7 =	vadd.f32 v14, v7;
	v6 =	vadd.f32 v62, v6  }
0xb1: {  	v59 =	vld [tilespmem:s21+$0x4C0];
	v4 =	vadd.f32 v63, v4;
	v5 =	vadd.f32 v33, v5  }
0xb2: {  	v60 =	vld [tilespmem:s21+$0x4D0];
	v7 =	vadd.f32 v18, v7;
	v6 =	vadd.f32 v34, v6  }
0xb3: {  	v62 =	vld [tilespmem:s21+$0x4F0];
	v4 =	vadd.f32 v38, v4;
	v5 =	vadd.f32 v41, v5  }
0xb4: {  	v63 =	vld [tilespmem:s21+$0x500];
	v7 =	vadd.f32 v37, v7;
	v6 =	vadd.f32 v42, v6  }
0xb5: {  	v52 =	vld [tilespmem:s21+$0xA0D0];
	v4 =	vadd.f32 v54, v4;
	v5 =	vadd.f32 v55, v5  }
0xb6: {  	v61 =	vld [tilespmem:s21+$0x4E0];
	v7 =	vadd.f32 v53, v7;
	v6 =	vadd.f32 v56, v6  }
0xb7: {  	v33 =	vld [tilespmem:s20+$0x10];
	v4 =	vadd.f32 v58, v4;
	v5 =	vadd.f32 v59, v5  }
0xb8: {  	v34 =	vld [tilespmem:s21+$0xA030];
	v7 =	vadd.f32 v57, v7;
	v6 =	vadd.f32 v60, v6  }
0xb9: {  	v37 =	vld [tilespmem:s21+$0xA050];
	v4 =	vadd.f32 v62, v4;
	v5 =	vadd.f32 v63, v5  }
0xba: {  	v38 =	vld [tilespmem:s21+$0xA070];
	v36 =	vadd.f32 v21, v6  }
0xbb: {  	v42 =	vld [tilespmem:s21+$0xA060];
	v12 =	vadd.f32 v61, v7;
	v7 =	vmul.f32 $5.000000070e-02, v4;
	v6 =	vmul.f32 $5.000000070e-02, v5  }
0xbc: {  	v54 =	vld [tilespmem:s21+$0xA0E0];
	v4 =	vmul.f32 $5.000000070e-02, v36  }
0xbd: {  	v55 =	vld [tilespmem:s21+$0xA0F0];
	v5 =	vadd.f32 v24, v12;
	v40 =	vmul.f32 v30, v7;
	v41 =	vmul.f32 v31, v6  }
0xbe: {  	v60 =	vld [tilespmem:s21+$0xA110];
	v8 =	vmul.f32 v34, v7;
	v10 =	vmul.f32 v35, v6  }
0xbf: {  	v62 =	vld [tilespmem:s21+$0xA120];
	v5 =	vmul.f32 $5.000000070e-02, v5;
	v44 =	vmul.f32 v32, v4  }
0xc0: {  	v24 =	vld [tilespmem:s21+$0xA130];
	v45 =	vmul.f32 v37, v4;
	v14 =	vmul.f32 v38, v7  }
0xc1: {  	v36 =	vld [tilespmem:s21+$0xA180];
	v11 =	vmul.f32 v39, v6;
	v49 =	vmul.f32 v43, v4  }
0xc2: {  	v16 =	vmul.f32 v50, v6;
	v13 =	vmul.f32 v52, v4;
	v31 =	vld [tilespmem:s21+$0xA160]  }
0xc3: {  	v63 =	vmul.f32 v55, v7;
	v50 =	vld [tilespmem:s21+$0xA1D0];
	v12 =	vadd.f32 v41, v40;
	v9 =	vmul.f32 v33, v5  }
0xc4: {  	v55 =	vld [tilespmem:s21+$0xA1E0];
	v8 =	vadd.f32 v10, v8;
	v48 =	vmul.f32 v42, v5;
	v51 =	vmul.f32 v46, v5  }
0xc5: {  	v39 =	vld [tilespmem:s21+$0xA1A0];
	v11 =	vadd.f32 v11, v14;
	v10 =	vmul.f32 v47, v7;
	v14 =	vmul.f32 v60, v4  }
0xc6: {  	v32 =	vmul.f32 v62, v5;
	v33 =	vld [tilespmem:s21+$0xA170];
	v17 =	vmul.f32 v24, v7;
	v12 =	vadd.f32 v44, v12  }
0xc7: {  	v8 =	vadd.f32 v45, v8;
	v11 =	vadd.f32 v49, v11;
	v49 =	vmul.f32 v36, v6  }
0xc8: {  	v10 =	vadd.f32 v16, v10;
	v52 =	vmul.f32 v31, v5;
	v18 =	vmul.f32 v50, v4  }
0xc9: {  	v47 =	vld [tilespmem:s21+$0xA200];
	v62 =	vmul.f32 v55, v5;
	v9 =	vadd.f32 v9, v12;
	v8 =	vadd.f32 v48, v8  }
0xca: {  	v57 =	vld [tilespmem:s21+$0xA100];
	v10 =	vadd.f32 v13, v10;
	v12 =	vmul.f32 v54, v5;
	v13 =	vmul.f32 v27, v6  }
0xcb: {  	v42 =	vld [tilespmem:s21+$0xA1B0];
	v11 =	vadd.f32 v51, v11;
	v54 =	vmul.f32 v39, v5;
	v48 =	vmul.f32 v33, v7  }
0xcc: {  	v53 =	vperm.xlane v9, v0;
	v15 =	vperm.xlane v8, v0  }
0xcd: {  	v29 =	vld [tilespmem:s21+$0xA150];
	v56 =	vperm.xlane v11, v0;
	v10 =	vadd.f32 v12, v10;
	v13 =	vadd.f32 v13, v17  }
0xce: {  	v43 =	vld [tilespmem:s21+$0xA1C0];
	v17 =	vmul.f32 v47, v6;
	v9 =	vadd.f32 v9, v53;
	v8 =	vadd.f32 v8, v15  }
0xcf: {  	v38 =	vld [tilespmem:s21+$0xA190];
	v11 =	vadd.f32 v11, v56;
	v15 =	vmul.f32 v57, v6;
	v28 =	vperm.xlane v10, v0  }
0xd0: {  	v46 =	vld [tilespmem:s21+$0xA1F0];
	v56 =	vmul.f32 v42, v7;
	v58 =	vperm.xlane v9, v1  }
0xd1: {  	v53 =	vld [tilespmem:s21+$0xA210];
	v59 =	vperm.xlane v8, v1;
	v61 =	vperm.xlane v11, v1;
	v12 =	vadd.f32 v15, v63  }
0xd2: {  	v10 =	vadd.f32 v10, v28;
	v15 =	vmul.f32 v29, v4;
	v9 =	vadd.f32 v9, v58  }
0xd3: {  	v57 =	vmul.f32 v43, v6;
	v8 =	vadd.f32 v8, v59;
	v11 =	vadd.f32 v11, v61  }
0xd4: {  	v39 =	vld [tilespmem:s21+$0xA270];
	v12 =	vadd.f32 v14, v12;
	v37 =	vperm.xlane v10, v1;
	v13 =	vadd.f32 v15, v13  }
0xd5: {  	v14 =	vmul.f32 v38, v4;
	v58 =	vld [tilespmem:s21+$0xA220];
	v59 =	vmul.f32 v46, v7;
	v15 =	vadd.f32 v57, v56  }
0xd6: {  	v46 =	vld [tilespmem:s21+$0xA2A0];
	v61 =	vmul.f32 v53, v4;
	v25 =	vperm.xlane v9, v2;
	v12 =	vadd.f32 v32, v12  }
0xd7: {  	v26 =	vperm.xlane v8, v2;
	v10 =	vadd.f32 v10, v37;
	v13 =	vadd.f32 v52, v13  }
0xd8: {  	v30 =	vperm.xlane v11, v2;
	v15 =	vadd.f32 v18, v15;
	v9 =	vadd.f32 v9, v25  }
0xd9: {  	v8 =	vadd.f32 v8, v26;
	v41 =	vperm.xlane v12, v0;
	v45 =	vperm.xlane v10, v2  }
0xda: {  	v37 =	vld [tilespmem:s21+$0xA260];
	v60 =	vperm.xlane v13, v0;
	v15 =	vadd.f32 v62, v15;
	v62 =	vmul.f32 v39, v7  }
0xdb: {  	v11 =	vadd.f32 v11, v30;
	v21 =	vmul.f32 v58, v5;
	v19 =	vmul.f32 v46, v5  }
0xdc: {  	v27 =	vld [tilespmem:s21+$0xA230];
	v34 =	vperm.xlane v9, v3;
	v35 =	vperm.xlane v8, v3  }
0xdd: {  	v30 =	vld [tilespmem:s21+$0xA240];
	v40 =	vperm.xlane v11, v3;
	v12 =	vadd.f32 v12, v41;
	v10 =	vadd.f32 v10, v45  }
0xde: {  	v13 =	vadd.f32 v13, v60;
	v26 =	vperm.xlane v15, v0;
	v9 =	vadd.f32 v9, v34  }
0xdf: {  	v58 =	vld [tilespmem:s21+$0xA2F0];
	v50 =	vmul.f32 v37, v5;
	v8 =	vadd.f32 v8, v35;
	v44 =	vadd.f32 v11, v40  }
0xe0: {  	v51 =	vperm.xlane v12, v1;
	v11 =	vadd.f32 v49, v48;
	v23 =	vperm.xlane v10, v3  }
0xe1: {  	v24 =	vperm.xlane v13, v1;
	v32 =	vadd.f32 v15, v26;
	v34 =	vld [tilespmem:s21+$0xA250];
	v40 =	vmul.f32 v27, v7  }
0xe2: {  	v49 =	vld [tilespmem:s21+$0xA2B0];
	v41 =	vmul.f32 v30, v6;
	v11 =	vadd.f32 v14, v11;
	v14 =	vadd.f32 v17, v59  }
0xe3: {  	v42 =	vld [tilespmem:s21+$0xA280];
	v8 =	vsel vm0, v9, v8;
	v12 =	vadd.f32 v12, v51;
	v10 =	vadd.f32 v10, v23  }
0xe4: {  	v56 =	vld [tilespmem:s21+$0xA2E0];
	v13 =	vadd.f32 v13, v24;
	v36 =	vperm.xlane v32, v1;
	v30 =	vmul.f32 v58, v7  }
0xe5: {  	v51 =	vld [tilespmem:s21+$0xA2C0];
	v8 =	vsel vm1, v8, v44;
	v17 =	vadd.f32 v41, v40;
	v11 =	vadd.f32 v54, v11  }
0xe6: {  	v14 =	vadd.f32 v61, v14;
	v25 =	vperm.xlane v12, v2;
	v33 =	vperm.xlane v13, v2  }
0xe7: {  	v8 =	vsel vm2, v8, v10;
	v16 =	vmul.f32 v34, v4;
	v24 =	vmul.f32 v49, v7  }
0xe8: {  	v44 =	vld [tilespmem:s21+$0xA290];
	v63 =	vperm.xlane v11, v0;
	v14 =	vadd.f32 v21, v14;
	v31 =	vadd.f32 v12, v25  }
0xe9: {  	v54 =	vld [tilespmem:s21+$0xA2D0];
	v13 =	vadd.f32 v13, v33;
	v12 =	vadd.f32 v32, v36;
	v21 =	vmul.f32 v42, v6  }
0xea: {  	v25 =	vld [tilespmem:s21+$0xA320];
	v32 =	vmul.f32 v56, v5;
	v16 =	vadd.f32 v16, v17;
	v18 =	vmul.f32 v51, v6  }
0xeb: {  	v33 =	vld [tilespmem:s21+$0xA370];
	v11 =	vadd.f32 v11, v63;
	v29 =	vperm.xlane v14, v0;
	v35 =	vperm.xlane v31, v3  }
0xec: {  	v36 =	vld [tilespmem:s21+$0xA380];
	v43 =	vperm.xlane v13, v3;
	v45 =	vperm.xlane v12, v2;
	v26 =	vadd.f32 v21, v62  }
0xed: {  	v61 =	vld [tilespmem:s21+$0xA300];
	v27 =	vmul.f32 v44, v4;
	v16 =	vadd.f32 v50, v16;
	v14 =	vadd.f32 v14, v29  }
0xee: {  	v63 =	vld [tilespmem:s21+$0xA310];
	v28 =	vperm.xlane v11, v1;
	v9 =	vadd.f32 v31, v35;
	v12 =	vadd.f32 v12, v45  }
0xef: {  	v52 =	vadd.f32 v13, v43;
	v29 =	vld [tilespmem:s21+$0xA340];
	v60 =	vperm.xlane v16, v0;
	v37 =	vmul.f32 v25, v5  }
0xf0: {  	v31 =	vld [tilespmem:s21+$0xA350];
	v17 =	vmul.f32 v33, v7;
	v11 =	vadd.f32 v11, v28;
	v20 =	vperm.xlane v14, v1  }
0xf1: {  	v46 =	vmul.f32 v36, v6;
	v8 =	vsel vm3, v8, v9;
	v55 =	vperm.xlane v12, v3;
	v28 =	vld [tilespmem:s21+$0xA330]  }
0xf2: {  	v45 =	vld [tilespmem:s21+$0xA3A0];
	v8 =	vsel vm4, v8, v52;
	v38 =	vperm.xlane v11, v2;
	v14 =	vadd.f32 v14, v20  }
0xf3: {  	v35 =	vmul.f32 v63, v4;
	v59 =	vadd.f32 v12, v55;
	v12 =	vmul.f32 v61, v6  }
0xf4: {  	v41 =	vld [tilespmem:s21+$0xA390];
	v17 =	vadd.f32 v46, v17;
	v11 =	vadd.f32 v11, v38;
	v48 =	vperm.xlane v14, v2  }
0xf5: {  	v40 =	vmul.f32 v29, v6;
	v44 =	vmul.f32 v31, v4;
	v12 =	vadd.f32 v12, v30;
	v38 =	vld [tilespmem:s21+$0xA360]  }
0xf6: {  	v39 =	vmul.f32 v28, v7;
	v47 =	vperm.xlane v11, v3;
	v53 =	vadd.f32 v14, v48  }
0xf7: {  	v15 =	vmul.f32 v45, v5;
	v14 =	vmul.f32 v54, v4;
	v12 =	vadd.f32 v35, v12  }
0xf8: {  	v13 =	vadd.f32 v40, v39;
	v10 =	vadd.f32 v11, v47;
	v57 =	vperm.xlane v53, v3  }
0xf9: {  	v46 =	vld [tilespmem:s21+$0xA470];
	v11 =	vadd.f32 v16, v60;
	v12 =	vadd.f32 v37, v12;
	v16 =	vmul.f32 v41, v4  }
0xfa: {  	v33 =	vld [tilespmem:s21+$0xA420];
	v13 =	vadd.f32 v44, v13;
	v48 =	vmul.f32 v38, v5;
	v8 =	vsel vm5, v8, v10  }
0xfb: {  	v9 =	vadd.f32 v53, v57;
	v10 =	vadd.f32 v18, v24;
	v34 =	vperm.xlane v11, v1  }
0xfc: {  	v63 =	vld [tilespmem:s21+$0xA410];
	v47 =	vperm.xlane v12, v0;
	v16 =	vadd.f32 v16, v17;
	v8 =	vsel vm6, v8, v59  }
0xfd: {  	v17 =	vld [tilespmem:s21+$0xA3B0];
	v13 =	vadd.f32 v48, v13;
	v8 =	vsel vm7, v8, v9;
	v9 =	vadd.f32 v27, v26  }
0xfe: {  	v28 =	vmul.f32 v46, v7;
	v10 =	vadd.f32 v14, v10;
	v12 =	vadd.f32 v12, v47  }
0xff: {  	v20 =	vld [tilespmem:s21+$0xA3C0];
	v11 =	vadd.f32 v11, v34;
	v54 =	vadd.f32 v15, v16;
	v16 =	vmul.f32 v33, v5  }
0x100: {  	v48 =	vld [tilespmem:s21+$0xA480];
	v52 =	vperm.xlane v13, v0;
	v9 =	vadd.f32 v19, v9;
	v51 =	vperm.xlane v12, v1  }
0x101: {  	v10 =	vadd.f32 v32, v10;
	v53 =	vperm.xlane v11, v2;
	v57 =	vperm.xlane v54, v0  }
0x102: {  	v58 =	vld [tilespmem:s21+$0xA3F0];
	v19 =	vmul.f32 v63, v4;
	v13 =	vadd.f32 v13, v52;
	v52 =	vmul.f32 v17, v7  }
0x103: {  	v39 =	vld [tilespmem:s21+$0xA440];
	v42 =	vperm.xlane v9, v0;
	v43 =	vperm.xlane v10, v0;
	v12 =	vadd.f32 v12, v51  }
0x104: {  	v41 =	vld [tilespmem:s21+$0xA450];
	v11 =	vadd.f32 v11, v53;
	v14 =	vadd.f32 v54, v57;
	v53 =	vmul.f32 v20, v6  }
0x105: {  	v33 =	vld [tilespmem:s21+$0xA4E0];
	v29 =	vmul.f32 v48, v6;
	v60 =	vperm.xlane v13, v1;
	v9 =	vadd.f32 v9, v42  }
0x106: {  	v36 =	vld [tilespmem:s21+$0xA430];
	v10 =	vadd.f32 v10, v43;
	v59 =	vperm.xlane v12, v2;
	v62 =	vperm.xlane v11, v3  }
0x107: {  	v61 =	vld [tilespmem:s21+$0xA400];
	v35 =	vperm.xlane v14, v1;
	v13 =	vadd.f32 v13, v60;
	v49 =	vperm.xlane v9, v1  }
0x108: {  	v15 =	vld [tilespmem:s21+$0xA3D0];
	v50 =	vperm.xlane v10, v1;
	v12 =	vadd.f32 v12, v59;
	v11 =	vadd.f32 v11, v62  }
0x109: {  	v54 =	vld [tilespmem:s21+$0xA4A0];
	v40 =	vadd.f32 v14, v35;
	v62 =	vmul.f32 v39, v6;
	v14 =	vmul.f32 v41, v4  }
0x10a: {  	vm15 =	vcmask $0x314;
	v41 =	vmul.f32 v33, v5;
	v38 =	vperm.xlane v13, v2  }
0x10b: {  	v44 =	vld [tilespmem:s21+$0xA460];
	v9 =	vadd.f32 v9, v49;
	v37 =	vperm.xlane v12, v3;
	v45 =	vperm.xlane v40, v2  }
0x10c: {  	v30 =	vld [tilespmem:s21+$0xA4D0];
	v10 =	vadd.f32 v10, v50;
	v49 =	vmul.f32 v58, v7;
	v50 =	vmul.f32 v61, v6  }
0x10d: {  	v31 =	vld [tilespmem:s21+$0xA510];
	v8 =	vsel vm8, v8, v11;
	v58 =	vmul.f32 v15, v4;
	v61 =	vmul.f32 v36, v7  }
0x10e: {  	v63 =	vld [tilespmem:s21+$0xA500];
	v36 =	vmul.f32 v54, v5;
	v43 =	vadd.f32 v13, v38;
	v55 =	vperm.xlane v9, v2  }
0x10f: {  	v51 =	vld [tilespmem:s21+$0xA490];
	v56 =	vperm.xlane v10, v2;
	v42 =	vadd.f32 v12, v37;
	v11 =	vadd.f32 v50, v49  }
0x110: {  	v59 =	vld [tilespmem:s21+$0xA4C0];
	v13 =	vmul.f32 v44, v5;
	v12 =	vadd.f32 v62, v61;
	v9 =	vadd.f32 v9, v55  }
0x111: {  	v38 =	vmul.f32 v30, v4;
	v10 =	vadd.f32 v10, v56;
	v56 =	vld [tilespmem:s21+$0xA4B0];
	v11 =	vadd.f32 v19, v11  }
0x112: {  	v57 =	vadd.f32 v53, v52;
	v60 =	vld [tilespmem:s21+$0xA4F0];
	v47 =	vperm.xlane v43, v3;
	v32 =	vperm.xlane v9, v3  }
0x113: {  	v12 =	vadd.f32 v14, v12;
	v34 =	vperm.xlane v10, v3;
	v11 =	vadd.f32 v16, v11  }
0x114: {  	v18 =	vld [tilespmem:s21+$0xA3E0];
	v16 =	vadd.f32 v29, v28;
	v9 =	vadd.f32 v9, v32;
	v32 =	vmul.f32 v51, v4  }
0x115: {  	v35 =	vld [tilespmem:s21+$0xA520];
	v10 =	vadd.f32 v10, v34;
	v34 =	vmul.f32 v59, v6;
	v6 =	vmul.f32 v63, v6  }
0x116: {  	v12 =	vadd.f32 v13, v12;
	v4 =	vmul.f32 v31, v4;
	v22 =	vmul.f32 v56, v7  }
0x117: {  	v7 =	vmul.f32 v60, v7;
	v8 =	vsel vm9, v8, v9;
	v9 =	vadd.f32 v43, v47  }
0x118: {  	v16 =	vadd.f32 v32, v16;
	v8 =	vsel vm10, v8, v10;
	v10 =	vadd.f32 v40, v45  }
0x119: {  	v43 =	vperm.xlane v12, v0;
	v37 =	vadd.f32 v34, v22;
	v6 =	vadd.f32 v6, v7  }
0x11a: {  	v40 =	vmul.f32 v18, v5;
	v5 =	vmul.f32 v35, v5;
	v8 =	vsel vm11, v8, v42  }
0x11b: {  	v16 =	vadd.f32 v36, v16;
	v42 =	vperm.xlane v11, v0;
	v12 =	vadd.f32 v12, v43  }
0x11c: {  	v8 =	vsel vm12, v8, v9;
	v9 =	vadd.f32 v58, v57;
	v39 =	vadd.f32 v38, v37  }
0x11d: {  	v55 =	vperm.xlane v10, v3;
	v4 =	vadd.f32 v4, v6;
	v6 =	vadd.f32 v11, v42  }
0x11e: {  	v44 =	vperm.xlane v16, v0;
	v9 =	vadd.f32 v40, v9;
	v7 =	vadd.f32 v41, v39  }
0x11f: {  	v48 =	vperm.xlane v12, v1;
	v4 =	vadd.f32 v5, v4;
	v46 =	vperm.xlane v6, v1  }
0x120: {  	v11 =	vadd.f32 v16, v44;
	v5 =	vperm.xlane v9, v0;
	v45 =	vperm.xlane v7, v0  }
0x121: {  	v10 =	vadd.f32 v10, v55;
	v47 =	vperm.xlane v4, v0;
	v6 =	vadd.f32 v6, v46  }
0x122: {  	v49 =	vperm.xlane v11, v1;
	v5 =	vadd.f32 v9, v5;
	v7 =	vadd.f32 v7, v45  }
0x123: {  	v4 =	vadd.f32 v4, v47;
	v9 =	vadd.f32 v12, v48;
	v52 =	vperm.xlane v6, v2  }
0x124: {  	v11 =	vadd.f32 v11, v49;
	v50 =	vperm.xlane v5, v1;
	v51 =	vperm.xlane v7, v1  }
0x125: {  	v53 =	vperm.xlane v4, v1;
	v54 =	vperm.xlane v9, v2;
	v6 =	vadd.f32 v6, v52  }
0x126: {  	v55 =	vperm.xlane v11, v2;
	v5 =	vadd.f32 v5, v50;
	v7 =	vadd.f32 v7, v51  }
0x127: {  	v4 =	vadd.f32 v4, v53;
	v9 =	vadd.f32 v9, v54;
	v15 =	vperm.xlane v6, v3  }
0x128: {  	v11 =	vadd.f32 v11, v55;
	v56 =	vperm.xlane v5, v2;
	v57 =	vperm.xlane v7, v2  }
0x129: {  	v58 =	vperm.xlane v4, v2;
	v59 =	vperm.xlane v9, v3;
	v6 =	vadd.f32 v6, v15  }
0x12a: {  	v8 =	vsel vm13, v8, v10;
	v5 =	vadd.f32 v5, v56;
	v7 =	vadd.f32 v7, v57  }
0x12b: {  	v60 =	vperm.xlane v11, v3;
	v4 =	vadd.f32 v4, v58;
	v9 =	vadd.f32 v9, v59  }
0x12c: {  	v6 =	vnsel vm0, $0x0, v6;
	v61 =	vperm.xlane v5, v3;
	v62 =	vperm.xlane v7, v3  }
0x12d: {  	p0 =	sne.s32 s18, $0x27FC0;
	v11 =	vadd.f32 v11, v60;
	v63 =	vperm.xlane v4, v3;
	v6 =	vsel vm15, v6, v9  }
.Ltmp0:
0x12e: {  	vm15 =	vcmask $0x714;
	v5 =	vadd.f32 v5, v61;
	v7 =	vadd.f32 v7, v62;
	(pc) =	sbr.rel @p0 .LBB2_3-.Ltmp0, $4  }
0x12f: {  	v6 =	vsel vm15, v6, v11;
	vm15 =	vcmask $0xB14;
	v4 =	vadd.f32 v4, v63  }
0x130: {  	v5 =	vsel vm14, v8, v5;
	v6 =	vsel vm15, v6, v7;
	vm15 =	vcmask $0xF14  }
0x131: {  	v4 =	vsel vm15, v6, v4;
	[tilespmem:s19+$0xFFFFFFF0] =	vst v5  }
0x132: {  	s18 =	sadd.s32 $0x1400, s18;
	s20 =	sadd.s32 $0x40, s20;
	[tilespmem:s19+$0x0] =	vst v4;
	s19 =	sadd.s32 $0x20, s19  }
0x133: {  	s16 =	sadd.s32 $0x1, s16  }
0x134: {  	s17 =	sshll.u32 s17, $0x2;
	p0 =	sne.s32 s16, $0x10  }
.Ltmp1:
0x135: {  	s17 =	sadd.s32 s8, s17;
	(pc) =	sbr.rel @p0 .LBB2_2-.Ltmp1, $4  }
0x136: {  	[hbm4b:s17+s2] =	stream.linear.scatter [tilespmem:s15], [sflag:$0x2], $0x400, $0x38;
	[tilespmem:$0x15120] =	vst v63  }
0x137: {  	_ =	swait.ge [sflag:s11], $0x400  }
0x138: {  	[sflag:s11] =	ssyncset.done $0x0  }
0x139: {  	[sflag:s11] =	ssyncadd.s32 $0xFFFFFC00  }
0x13a: {  	s17 =	rddreg [dreg:$0x4]  }
0x13b: {  	s16 =	rddreg [dreg:$0x3];
	s17 =	sadd.s32 $0x1, s17  }
0x13c: {  	p0 =	sne.s32 s17, s16  }
.Ltmp2:
0x13d: {  	_ = 	snop;
	(pc) =	sbr.rel @p0 .LBB2_1-.Ltmp2, $1  }
0x13e: {  	_ =	sdelay $0x3  }
0x13f: {  	_ =	sfence.sel $0x180000  }
0x140: {  	[bflag:$0x0] =	sbarrier.arrive $0xFFFF  }
0x141: {  	_ =	strace $0x90000047  }
0x142: {  	s0 =	stileid.u32;
	[bflag:$0x2] =	sbarrier.arrive $0xFFFF  }
0x143: {  	p0 =	sne.s32 s0, $0x0;
	s0 =	rddreg [dreg:$0x2]  }
0x144: {  	s0 =	sadd.s32 @!p0 $0x100000, s0  }
0x145: {  	[sflag:s0] =	ssyncadd.tile.s32 @!p0 $0x1;
	_ =	shalt  }
.Lfunc_end2:
_tile_overlayer_lowered:
.L_overlay_start_2:
0x146: {  	(tag) =	ssettag $0x2  }
0x147: {  	s0 =	rddreg [dreg:$0x0];
	s2 =	stileid.u32  }
0x148: {  	s1 =	rddreg [dreg:$0x1];
	p0 =	sne.s32 s2, $0x0  }
0x149: {  	s3 =	rddreg [dreg:$0x2];
	[bflag:$0x3] =	sbarrier.arrive $0xFFFF;
	s2 =	simm.s32 @!p0 $0x1C02  }
0x14a: {  	[timem:s3], [sflag:s2] =	dma.local @!p0 [hbm:s0], s1  }
0x14b: {  	s0 =	simm.s32 @!p0 $0x2  }
0x14c: {  	_ =	swait.ge @!p0 [sflag:s0], s1  }
0x14d: {  	s1 =	ssub.s32 @!p0 $0x0, s1;
	[sflag:s0] =	ssyncset.done @!p0 $0x0  }
0x14e: {  	[sflag:s0] =	ssyncadd.s32 @!p0 s1  }
0x14f: {  	[bflag:$0x3] =	sbarrier.arrive $0xFFFF  }
0x150: {  	_ =	shalt  }

</sc_bundles>
